<compile_context>
chip_gen: v7x
topology: tpu7x:2x2x1
jax: 0.10.2.dev20260603
libtpu: 0.0.44.dev20260713+nightly
codegen_flags: <defaults>
</compile_context>

<pallas_src>
import dataclasses
import functools

import jax
import jax.numpy as jnp
from jax import lax
from jax.experimental import pallas as pl
from jax.experimental.pallas import tpu as pltpu
from jax.experimental.pallas import tpu_sc as plsc

N_NODES = 10000
N_EDGES = 320000
DIM = 128
N_GRAPHS = 64
EDGE_BLK = 128
NUM_CORES = 2
NUM_SUBCORES = 16
NUM_WORKERS = NUM_CORES * NUM_SUBCORES
NBLK = N_EDGES // EDGE_BLK
BLK_PER_W = -(-NBLK // NUM_WORKERS)
BLK_LOOP = BLK_PER_W + (BLK_PER_W % 2)
N_PAD = 10240
ROWS_PER_SUB = N_PAD // NUM_SUBCORES
WCHUNK = ROWS_PER_SUB // EDGE_BLK


def _sc_segment_sum(edge_attr, src, zeros_big, zeros_hist):
    mesh = plsc.VectorSubcoreMesh(core_axis_name="c", subcore_axis_name="s")
    cp = pltpu.CompilerParams()
    if "needs_layout_passes" in pltpu.CompilerParams.__dataclass_fields__:
        cp = dataclasses.replace(cp, needs_layout_passes=False)

    @functools.partial(
        pl.kernel,
        compiler_params=cp,
        out_type=[
            jax.ShapeDtypeStruct((NUM_CORES * N_PAD, DIM), jnp.float32),
            jax.ShapeDtypeStruct((NUM_WORKERS * N_PAD,), jnp.float32),
        ],
        mesh=mesh,
        scratch_types=[
            pltpu.VMEM_SHARED((N_PAD, DIM), jnp.float32),
            pltpu.VMEM((EDGE_BLK,), jnp.int32),
            pltpu.VMEM((EDGE_BLK,), jnp.int32),
            pltpu.VMEM((EDGE_BLK, DIM), jnp.float32),
            pltpu.VMEM((EDGE_BLK, DIM), jnp.float32),
            pltpu.VMEM((N_PAD,), jnp.float32),
            pltpu.SemaphoreType.DMA,
            pltpu.SemaphoreType.DMA,
            pltpu.SemaphoreType.DMA,
            pltpu.SemaphoreType.DMA,
        ],
    )
    def k(attr_hbm, src_hbm, zb_hbm, zh_hbm, sums_hbm, cnt_hbm,
          sh_sums, idx_v0, idx_v1, attr_v0, attr_v1, hist_v, sem0, sem1,
          ssem0, ssem1):
        cid = lax.axis_index("c")
        sid = lax.axis_index("s")
        wid = sid * NUM_CORES + cid

        row0 = sid * ROWS_PER_SUB
        pltpu.sync_copy(zb_hbm.at[pl.ds(0, EDGE_BLK)], attr_v0)
        pltpu.async_copy(zh_hbm, hist_v, ssem0)
        zfills = [pltpu.make_async_copy(
            attr_v0, sh_sums.at[pl.ds(row0 + j * EDGE_BLK, EDGE_BLK)], sem0)
            for j in range(WCHUNK)]
        for d in zfills:
            d.start()
        for d in zfills:
            d.wait()
        pltpu.make_async_copy(zh_hbm, hist_v, ssem0).wait()
        plsc.subcore_barrier()

        ones16 = jnp.full((16,), 1.0, jnp.float32)
        bufs = ((idx_v0, attr_v0, sem0, ssem0), (idx_v1, attr_v1, sem1, ssem1))

        def loads(blk, buf):
            idxb, attrb, sem = buf[:3]
            base = blk * EDGE_BLK
            i_d = pltpu.make_async_copy(src_hbm.at[pl.ds(base, EDGE_BLK)],
                                        idxb, sem)
            a_d = pltpu.make_async_copy(attr_hbm.at[pl.ds(base, EDGE_BLK)],
                                        attrb, sem)
            return i_d, a_d

        def start_loads(blk, buf):
            i_d, a_d = loads(blk, buf)
            i_d.start()
            a_d.start()

        def wait_loads(blk, buf):
            i_d, a_d = loads(blk, buf)
            i_d.wait()
            a_d.wait()

        start_loads(wid, bufs[0])

        def process(buf):
            idxb, attrb = buf[0], buf[1]
            pltpu.sync_copy(attrb, sh_sums.at[idxb], add=True)
            for i in range(EDGE_BLK // 16):
                idx16 = idxb[pl.ds(i * 16, 16)]
                plsc.addupdate_scatter(hist_v, [idx16], ones16)

        FULL_PER_W = NBLK // NUM_WORKERS

        @pl.loop(0, FULL_PER_W, step=2)
        def _(kk):
            for b in range(2):
                cur = wid + (kk + b) * NUM_WORKERS
                nxt = cur + NUM_WORKERS
                buf = bufs[b]
                nbuf = bufs[1 - b]
                wait_loads(cur, buf)

                @pl.when(nxt < NBLK)
                def _():
                    start_loads(nxt, nbuf)

                process(buf)

        for t in range(FULL_PER_W, BLK_PER_W):
            tail = wid + t * NUM_WORKERS

            @pl.when(tail < NBLK)
            def _():
                wait_loads(tail, bufs[t % 2])
                process(bufs[t % 2])

        plsc.subcore_barrier()
        out0 = cid * N_PAD + row0
        pltpu.async_copy(hist_v, cnt_hbm.at[pl.ds(wid * N_PAD, N_PAD)], ssem0)
        wbufs = (attr_v0, attr_v1)
        wsems = (sem0, sem1)

        def rd(j, b):
            return pltpu.make_async_copy(
                sh_sums.at[pl.ds(row0 + j * EDGE_BLK, EDGE_BLK)],
                wbufs[b], wsems[b])

        def wr(j, b):
            return pltpu.make_async_copy(
                wbufs[b],
                sums_hbm.at[pl.ds(out0 + j * EDGE_BLK, EDGE_BLK)], wsems[b])

        rd(0, 0).start()
        for j in range(WCHUNK):
            b = j % 2
            nb = 1 - b
            rd(j, b).wait()
            if j + 1 < WCHUNK:
                if j >= 1:
                    wr(j - 1, nb).wait()
                rd(j + 1, nb).start()
            wr(j, b).start()
        wr(WCHUNK - 2, WCHUNK % 2).wait()
        wr(WCHUNK - 1, (WCHUNK - 1) % 2).wait()
        pltpu.make_async_copy(hist_v,
                              cnt_hbm.at[pl.ds(wid * N_PAD, N_PAD)],
                              ssem0).wait()

    return k(edge_attr, src, zeros_big, zeros_hist)


BN = 1000


def _mlp_body(batch_ref, x_ref, s0_ref, s1_ref, cnt_ref, u_ref,
              w0x_ref, w0v_ref, w0u_ref, b0_ref, w1_ref, b1_ref,
              w2_ref, b2_ref, o_ref):
    f32 = jnp.float32
    cnt = jnp.sum(cnt_ref[...], axis=1)[:, None]
    v_e = (s0_ref[...] + s1_ref[...]) / jnp.maximum(cnt, 1.0)
    onehot = (batch_ref[...] ==
              lax.broadcasted_iota(jnp.int32, (1, N_GRAPHS), 1)).astype(f32)
    uw = lax.dot_general(u_ref[...], w0u_ref[...],
                         (((1,), (1,)), ((), ())), preferred_element_type=f32)
    t = lax.dot_general(x_ref[...], w0x_ref[...],
                        (((1,), (1,)), ((), ())), preferred_element_type=f32)
    t += lax.dot_general(v_e, w0v_ref[...],
                         (((1,), (1,)), ((), ())), preferred_element_type=f32)
    t += lax.dot_general(onehot, uw,
                         (((1,), (0,)), ((), ())), preferred_element_type=f32)
    h = jnp.maximum(t + b0_ref[...], 0.0)
    h = jnp.maximum(
        lax.dot_general(h, w1_ref[...], (((1,), (1,)), ((), ())),
                        preferred_element_type=f32) + b1_ref[...], 0.0)
    o_ref[...] = jnp.maximum(
        lax.dot_general(h, w2_ref[...], (((1,), (1,)), ((), ())),
                        preferred_element_type=f32) + b2_ref[...], 0.0)


def _tc_mlp(batch2d, x, s0, s1, cnt, u, w0x, w0v, w0u, b0, w1, b1, w2, b2):
    grid = (N_NODES // BN,)
    row = lambda i: (i, 0)
    full = lambda i: (0, 0)
    return pl.pallas_call(
        _mlp_body,
        grid=grid,
        in_specs=[
            pl.BlockSpec((BN, 1), row),
            pl.BlockSpec((BN, DIM), row),
            pl.BlockSpec((BN, DIM), row),
            pl.BlockSpec((BN, DIM), row),
            pl.BlockSpec((BN, NUM_WORKERS), lambda i: (i, 0)),
            pl.BlockSpec((N_GRAPHS, DIM), full),
            pl.BlockSpec((DIM, DIM), full),
            pl.BlockSpec((DIM, DIM), full),
            pl.BlockSpec((DIM, DIM), full),
            pl.BlockSpec((1, DIM), full),
            pl.BlockSpec((DIM, DIM), full),
            pl.BlockSpec((1, DIM), full),
            pl.BlockSpec((DIM, DIM), full),
            pl.BlockSpec((1, DIM), full),
        ],
        out_specs=pl.BlockSpec((BN, DIM), row),
        out_shape=jax.ShapeDtypeStruct((N_NODES, DIM), jnp.float32),
    )(batch2d, x, s0, s1, cnt, u, w0x, w0v, w0u, b0, w1, b1, w2, b2)


def kernel(x, edge_index, edge_attr, u, batch, W0, b0, W1, b1, W2, b2):
    src = edge_index[0, :]
    zeros_big = jnp.zeros((N_PAD, DIM), jnp.float32)
    zeros_hist = jnp.zeros((N_PAD,), jnp.float32)
    sums_p, cnt_p = _sc_segment_sum(edge_attr, src, zeros_big, zeros_hist)
    sums_p = sums_p.reshape(NUM_CORES, N_PAD, DIM)
    cnt_p = cnt_p.reshape(NUM_WORKERS, N_PAD)
    out = _tc_mlp(
        batch.reshape(N_NODES, 1), x,
        sums_p[0, :N_NODES], sums_p[1, :N_NODES],
        cnt_p[:, :N_NODES].T, u,
        W0[:, :DIM], W0[:, DIM:2 * DIM], W0[:, 2 * DIM:],
        b0.reshape(1, DIM), W1, b1.reshape(1, DIM), W2, b2.reshape(1, DIM))
    return out

# --- scband reference (transcript-rebuilt; emitter-appended) ---
"""Pipeline reference for scband-megnet-node-model-74818330296971 (READ-ONLY COPY).

The authoritative reference and input builder live on the scoring server;
editing this copy changes nothing except your own understanding.
"""

import jax, jax.numpy as jnp
import numpy as np

N = 10000
E = 320000
G = 64
DIM = 128


def setup_inputs(seed: int = 0) -> dict:
    key = jax.random.key(seed)
    ks = jax.random.split(key, 12)
    x = jax.random.normal(ks[0], (N, DIM), dtype=jnp.float32)
    edge_index = jax.random.randint(ks[1], (2, E), 0, N, dtype=jnp.int32)
    edge_attr = jax.random.normal(ks[2], (E, DIM), dtype=jnp.float32)
    u = jax.random.normal(ks[3], (G, DIM), dtype=jnp.float32)
    batch = jnp.sort(jax.random.randint(ks[4], (N,), 0, G, dtype=jnp.int32))
    # Linear layers: layer0 maps 3*dim -> dim, layers 1..2 map dim -> dim
    W0 = jax.random.normal(ks[5], (DIM, 3 * DIM), dtype=jnp.float32) * 0.05
    b0 = jnp.zeros((DIM,), dtype=jnp.float32)
    W1 = jax.random.normal(ks[6], (DIM, DIM), dtype=jnp.float32) * 0.05
    b1 = jnp.zeros((DIM,), dtype=jnp.float32)
    W2 = jax.random.normal(ks[7], (DIM, DIM), dtype=jnp.float32) * 0.05
    b2 = jnp.zeros((DIM,), dtype=jnp.float32)
    return {"x": x, "edge_index": edge_index, "edge_attr": edge_attr, "u": u,
            "batch": batch, "W0": W0, "b0": b0, "W1": W1, "b1": b1,
            "W2": W2, "b2": b2}


def reference(x, edge_index, edge_attr, u, batch, W0, b0, W1, b1, W2, b2):
    n_nodes = x.shape[0]
    src = edge_index[0, :]
    # scatter_mean(edge_attr, edge_index[0], dim=0) with output size n_nodes
    sums = jax.ops.segment_sum(edge_attr, src, num_segments=n_nodes)
    counts = jax.ops.segment_sum(jnp.ones((edge_attr.shape[0],), dtype=edge_attr.dtype),
                                 src, num_segments=n_nodes)
    v_e = sums / jnp.clip(counts, 1.0)[:, None]
    comb = jnp.concatenate([x, v_e, u[batch]], axis=1)
    # fc_layers=2 -> 3 Linear layers; act=relu; batch_norm='False'; dropout_rate=0.0 (identity)
    out = jax.nn.relu(comb @ W0.T + b0)
    out = jax.nn.relu(out @ W1.T + b1)
    out = jax.nn.relu(out @ W2.T + b2)
    return out

if __name__ == "__main__":
    import jax
    _d = setup_inputs()
    print(jax.jit(kernel)(*tuple(_d.values())))

</pallas_src>

<mosaic_0001>
#map = affine_map<(d0, d1) -> (0, 0)>
#map1 = affine_map<(d0, d1) -> (0)>
module attributes {stable_mosaic.version = 14 : i64} {
  func.func @k(%arg0: i32, %arg1: i32, %arg2: memref<320000x128xf32, #tpu.memory_space<hbm>>, %arg3: memref<320000xi32, #tpu.memory_space<hbm>>, %arg4: memref<10240x128xf32, #tpu.memory_space<hbm>>, %arg5: memref<10240xf32, #tpu.memory_space<hbm>>, %arg6: memref<20480x128xf32, #tpu.memory_space<hbm>>, %arg7: memref<327680xf32, #tpu.memory_space<hbm>>, %arg8: memref<10240x128xf32, #tpu.memory_space<vmem_shared>>, %arg9: memref<128xi32, #tpu.memory_space<vmem>>, %arg10: memref<128xi32, #tpu.memory_space<vmem>>, %arg11: memref<128x128xf32, #tpu.memory_space<vmem>>, %arg12: memref<128x128xf32, #tpu.memory_space<vmem>>, %arg13: memref<10240xf32, #tpu.memory_space<vmem>>, %arg14: memref<!tpu.dma_semaphore, #tpu.memory_space<semaphore_mem>>, %arg15: memref<!tpu.dma_semaphore, #tpu.memory_space<semaphore_mem>>, %arg16: memref<!tpu.dma_semaphore, #tpu.memory_space<semaphore_mem>>, %arg17: memref<!tpu.dma_semaphore, #tpu.memory_space<semaphore_mem>>) attributes {dimension_semantics = [#tpu.dimension_semantics<core_parallel>, #tpu.dimension_semantics<subcore_parallel>], iteration_bounds = array<i64: 2, 16>, scalar_prefetch = 0 : i64, scratch_operands = 10 : i64, tpu.core_type = #tpu.core_type<sc_vector_subcore>, window_params = [{transform_indices = #map}, {transform_indices = #map1}, {transform_indices = #map}, {transform_indices = #map1}, {transform_indices = #map}, {transform_indices = #map1}]} {
    %mul3A = arith.constant 2 : i32
    %mul3A_0 = arith.muli %arg1, %mul3A : i32
    %add3A = arith.addi %mul3A_0, %arg0 : i32
    %mul3A_1 = arith.constant 640 : i32
    %mul3A_2 = arith.muli %arg1, %mul3A_1 : i32
    "tpu.region"() ({
      %run_scoped3A = tpu.sem_alloc : memref<!tpu.dma_semaphore, #tpu.memory_space<semaphore_mem>>
      %dma_start3A_200 = arith.constant 0 : i32
      %dma_start3A_201 = arith.constant 0 : i32
      %dma_start3A_202 = tpu.memref_slice %arg4[%dma_start3A_200, %dma_start3A_201] : memref<10240x128xf32, #tpu.memory_space<hbm>> -> memref<128x128xf32, #tpu.memory_space<hbm>>
      %dma_start3A_203 = arith.constant 0 : i32
      %dma_start3A_204 = arith.constant 0 : i32
      %dma_start3A_205 = tpu.memref_slice %arg4[%dma_start3A_203, %dma_start3A_204] : memref<10240x128xf32, #tpu.memory_space<hbm>> -> memref<128x128xf32, #tpu.memory_space<hbm>>
      tpu.enqueue_dma source(%dma_start3A_205 : memref<128x128xf32, #tpu.memory_space<hbm>>) target(%arg11 : memref<128x128xf32, #tpu.memory_space<vmem>>) target_semaphore(%run_scoped3A : memref<!tpu.dma_semaphore, #tpu.memory_space<semaphore_mem>>)
      %dma_wait3A_206 = arith.constant 0 : i32
      %dma_wait3A_207 = arith.constant 0 : i32
      %dma_wait3A_208 = tpu.memref_slice %arg4[%dma_wait3A_206, %dma_wait3A_207] : memref<10240x128xf32, #tpu.memory_space<hbm>> -> memref<128x128xf32, #tpu.memory_space<hbm>>
      %dma_wait3A_209 = arith.constant 0 : i32
      %dma_wait3A_210 = arith.constant 0 : i32
      %dma_wait3A_211 = tpu.memref_slice %arg4[%dma_wait3A_209, %dma_wait3A_210] : memref<10240x128xf32, #tpu.memory_space<hbm>> -> memref<128x128xf32, #tpu.memory_space<hbm>>
      tpu.wait_dma2 semaphore(%run_scoped3A : memref<!tpu.dma_semaphore, #tpu.memory_space<semaphore_mem>>) src(%dma_wait3A_211 : memref<128x128xf32, #tpu.memory_space<hbm>>) dst(%arg11 : memref<128x128xf32, #tpu.memory_space<vmem>>)
      tpu.yield
    }) : () -> ()
    tpu.enqueue_dma source(%arg5 : memref<10240xf32, #tpu.memory_space<hbm>>) target(%arg13 : memref<10240xf32, #tpu.memory_space<vmem>>) target_semaphore(%arg16 : memref<!tpu.dma_semaphore, #tpu.memory_space<semaphore_mem>>)
    %add3A_3 = arith.constant 0 : i32
    %add3A_4 = arith.addi %mul3A_2, %add3A_3 : i32
    %add3A_5 = arith.constant 128 : i32
    %add3A_6 = arith.addi %mul3A_2, %add3A_5 : i32
    %add3A_7 = arith.constant 256 : i32
    %add3A_8 = arith.addi %mul3A_2, %add3A_7 : i32
    %add3A_9 = arith.constant 384 : i32
    %add3A_10 = arith.addi %mul3A_2, %add3A_9 : i32
    %add3A_11 = arith.constant 512 : i32
    %add3A_12 = arith.addi %mul3A_2, %add3A_11 : i32
    %dma_start3A = arith.constant 0 : i32
    %dma_start3A_13 = tpu.memref_slice %arg8[%add3A_4, %dma_start3A] : memref<10240x128xf32, #tpu.memory_space<vmem_shared>> -> memref<128x128xf32, #tpu.memory_space<vmem_shared>>
    %dma_start3A_14 = arith.constant 0 : i32
    %dma_start3A_15 = tpu.memref_slice %arg8[%add3A_4, %dma_start3A_14] : memref<10240x128xf32, #tpu.memory_space<vmem_shared>> -> memref<128x128xf32, #tpu.memory_space<vmem_shared>>
    tpu.enqueue_dma source(%arg11 : memref<128x128xf32, #tpu.memory_space<vmem>>) target(%dma_start3A_15 : memref<128x128xf32, #tpu.memory_space<vmem_shared>>) target_semaphore(%arg14 : memref<!tpu.dma_semaphore, #tpu.memory_space<semaphore_mem>>)
    %dma_start3A_16 = arith.constant 0 : i32
    %dma_start3A_17 = tpu.memref_slice %arg8[%add3A_6, %dma_start3A_16] : memref<10240x128xf32, #tpu.memory_space<vmem_shared>> -> memref<128x128xf32, #tpu.memory_space<vmem_shared>>
    %dma_start3A_18 = arith.constant 0 : i32
    %dma_start3A_19 = tpu.memref_slice %arg8[%add3A_6, %dma_start3A_18] : memref<10240x128xf32, #tpu.memory_space<vmem_shared>> -> memref<128x128xf32, #tpu.memory_space<vmem_shared>>
    tpu.enqueue_dma source(%arg11 : memref<128x128xf32, #tpu.memory_space<vmem>>) target(%dma_start3A_19 : memref<128x128xf32, #tpu.memory_space<vmem_shared>>) target_semaphore(%arg14 : memref<!tpu.dma_semaphore, #tpu.memory_space<semaphore_mem>>)
    %dma_start3A_20 = arith.constant 0 : i32
    %dma_start3A_21 = tpu.memref_slice %arg8[%add3A_8, %dma_start3A_20] : memref<10240x128xf32, #tpu.memory_space<vmem_shared>> -> memref<128x128xf32, #tpu.memory_space<vmem_shared>>
    %dma_start3A_22 = arith.constant 0 : i32
    %dma_start3A_23 = tpu.memref_slice %arg8[%add3A_8, %dma_start3A_22] : memref<10240x128xf32, #tpu.memory_space<vmem_shared>> -> memref<128x128xf32, #tpu.memory_space<vmem_shared>>
    tpu.enqueue_dma source(%arg11 : memref<128x128xf32, #tpu.memory_space<vmem>>) target(%dma_start3A_23 : memref<128x128xf32, #tpu.memory_space<vmem_shared>>) target_semaphore(%arg14 : memref<!tpu.dma_semaphore, #tpu.memory_space<semaphore_mem>>)
    %dma_start3A_24 = arith.constant 0 : i32
    %dma_start3A_25 = tpu.memref_slice %arg8[%add3A_10, %dma_start3A_24] : memref<10240x128xf32, #tpu.memory_space<vmem_shared>> -> memref<128x128xf32, #tpu.memory_space<vmem_shared>>
    %dma_start3A_26 = arith.constant 0 : i32
    %dma_start3A_27 = tpu.memref_slice %arg8[%add3A_10, %dma_start3A_26] : memref<10240x128xf32, #tpu.memory_space<vmem_shared>> -> memref<128x128xf32, #tpu.memory_space<vmem_shared>>
    tpu.enqueue_dma source(%arg11 : memref<128x128xf32, #tpu.memory_space<vmem>>) target(%dma_start3A_27 : memref<128x128xf32, #tpu.memory_space<vmem_shared>>) target_semaphore(%arg14 : memref<!tpu.dma_semaphore, #tpu.memory_space<semaphore_mem>>)
    %dma_start3A_28 = arith.constant 0 : i32
    %dma_start3A_29 = tpu.memref_slice %arg8[%add3A_12, %dma_start3A_28] : memref<10240x128xf32, #tpu.memory_space<vmem_shared>> -> memref<128x128xf32, #tpu.memory_space<vmem_shared>>
    %dma_start3A_30 = arith.constant 0 : i32
    %dma_start3A_31 = tpu.memref_slice %arg8[%add3A_12, %dma_start3A_30] : memref<10240x128xf32, #tpu.memory_space<vmem_shared>> -> memref<128x128xf32, #tpu.memory_space<vmem_shared>>
    tpu.enqueue_dma source(%arg11 : memref<128x128xf32, #tpu.memory_space<vmem>>) target(%dma_start3A_31 : memref<128x128xf32, #tpu.memory_space<vmem_shared>>) target_semaphore(%arg14 : memref<!tpu.dma_semaphore, #tpu.memory_space<semaphore_mem>>)
    %dma_wait3A = arith.constant 0 : i32
    %dma_wait3A_32 = tpu.memref_slice %arg8[%add3A_4, %dma_wait3A] : memref<10240x128xf32, #tpu.memory_space<vmem_shared>> -> memref<128x128xf32, #tpu.memory_space<vmem_shared>>
    %dma_wait3A_33 = arith.constant 0 : i32
    %dma_wait3A_34 = tpu.memref_slice %arg8[%add3A_4, %dma_wait3A_33] : memref<10240x128xf32, #tpu.memory_space<vmem_shared>> -> memref<128x128xf32, #tpu.memory_space<vmem_shared>>
    tpu.wait_dma2 semaphore(%arg14 : memref<!tpu.dma_semaphore, #tpu.memory_space<semaphore_mem>>) src(%arg11 : memref<128x128xf32, #tpu.memory_space<vmem>>) dst(%dma_wait3A_34 : memref<128x128xf32, #tpu.memory_space<vmem_shared>>)
    %dma_wait3A_35 = arith.constant 0 : i32
    %dma_wait3A_36 = tpu.memref_slice %arg8[%add3A_6, %dma_wait3A_35] : memref<10240x128xf32, #tpu.memory_space<vmem_shared>> -> memref<128x128xf32, #tpu.memory_space<vmem_shared>>
    %dma_wait3A_37 = arith.constant 0 : i32
    %dma_wait3A_38 = tpu.memref_slice %arg8[%add3A_6, %dma_wait3A_37] : memref<10240x128xf32, #tpu.memory_space<vmem_shared>> -> memref<128x128xf32, #tpu.memory_space<vmem_shared>>
    tpu.wait_dma2 semaphore(%arg14 : memref<!tpu.dma_semaphore, #tpu.memory_space<semaphore_mem>>) src(%arg11 : memref<128x128xf32, #tpu.memory_space<vmem>>) dst(%dma_wait3A_38 : memref<128x128xf32, #tpu.memory_space<vmem_shared>>)
    %dma_wait3A_39 = arith.constant 0 : i32
    %dma_wait3A_40 = tpu.memref_slice %arg8[%add3A_8, %dma_wait3A_39] : memref<10240x128xf32, #tpu.memory_space<vmem_shared>> -> memref<128x128xf32, #tpu.memory_space<vmem_shared>>
    %dma_wait3A_41 = arith.constant 0 : i32
    %dma_wait3A_42 = tpu.memref_slice %arg8[%add3A_8, %dma_wait3A_41] : memref<10240x128xf32, #tpu.memory_space<vmem_shared>> -> memref<128x128xf32, #tpu.memory_space<vmem_shared>>
    tpu.wait_dma2 semaphore(%arg14 : memref<!tpu.dma_semaphore, #tpu.memory_space<semaphore_mem>>) src(%arg11 : memref<128x128xf32, #tpu.memory_space<vmem>>) dst(%dma_wait3A_42 : memref<128x128xf32, #tpu.memory_space<vmem_shared>>)
    %dma_wait3A_43 = arith.constant 0 : i32
    %dma_wait3A_44 = tpu.memref_slice %arg8[%add3A_10, %dma_wait3A_43] : memref<10240x128xf32, #tpu.memory_space<vmem_shared>> -> memref<128x128xf32, #tpu.memory_space<vmem_shared>>
    %dma_wait3A_45 = arith.constant 0 : i32
    %dma_wait3A_46 = tpu.memref_slice %arg8[%add3A_10, %dma_wait3A_45] : memref<10240x128xf32, #tpu.memory_space<vmem_shared>> -> memref<128x128xf32, #tpu.memory_space<vmem_shared>>
    tpu.wait_dma2 semaphore(%arg14 : memref<!tpu.dma_semaphore, #tpu.memory_space<semaphore_mem>>) src(%arg11 : memref<128x128xf32, #tpu.memory_space<vmem>>) dst(%dma_wait3A_46 : memref<128x128xf32, #tpu.memory_space<vmem_shared>>)
    %dma_wait3A_47 = arith.constant 0 : i32
    %dma_wait3A_48 = tpu.memref_slice %arg8[%add3A_12, %dma_wait3A_47] : memref<10240x128xf32, #tpu.memory_space<vmem_shared>> -> memref<128x128xf32, #tpu.memory_space<vmem_shared>>
    %dma_wait3A_49 = arith.constant 0 : i32
    %dma_wait3A_50 = tpu.memref_slice %arg8[%add3A_12, %dma_wait3A_49] : memref<10240x128xf32, #tpu.memory_space<vmem_shared>> -> memref<128x128xf32, #tpu.memory_space<vmem_shared>>
    tpu.wait_dma2 semaphore(%arg14 : memref<!tpu.dma_semaphore, #tpu.memory_space<semaphore_mem>>) src(%arg11 : memref<128x128xf32, #tpu.memory_space<vmem>>) dst(%dma_wait3A_50 : memref<128x128xf32, #tpu.memory_space<vmem_shared>>)
    tpu.wait_dma2 semaphore(%arg16 : memref<!tpu.dma_semaphore, #tpu.memory_space<semaphore_mem>>) src(%arg5 : memref<10240xf32, #tpu.memory_space<hbm>>) dst(%arg13 : memref<10240xf32, #tpu.memory_space<vmem>>)
    %barrier3A = arith.constant 0 : index
    tpu.barrier barrier_id(%barrier3A)
    %broadcast_in_dim3A = arith.constant 1.000000e+00 : f32
    %broadcast_in_dim3A_51 = vector.broadcast %broadcast_in_dim3A : f32 to vector<16xf32>
    %mul3A_52 = arith.constant 128 : i32
    %mul3A_53 = arith.muli %add3A, %mul3A_52 : i32
    %dma_start3A_54 = tpu.memref_slice %arg3[%mul3A_53] : memref<320000xi32, #tpu.memory_space<hbm>> -> memref<128xi32, #tpu.memory_space<hbm>>
    %dma_start3A_55 = tpu.memref_slice %arg3[%mul3A_53] : memref<320000xi32, #tpu.memory_space<hbm>> -> memref<128xi32, #tpu.memory_space<hbm>>
    tpu.enqueue_dma source(%dma_start3A_55 : memref<128xi32, #tpu.memory_space<hbm>>) target(%arg9 : memref<128xi32, #tpu.memory_space<vmem>>) target_semaphore(%arg14 : memref<!tpu.dma_semaphore, #tpu.memory_space<semaphore_mem>>)
    %dma_start3A_56 = arith.constant 0 : i32
    %dma_start3A_57 = tpu.memref_slice %arg2[%mul3A_53, %dma_start3A_56] : memref<320000x128xf32, #tpu.memory_space<hbm>> -> memref<128x128xf32, #tpu.memory_space<hbm>>
    %dma_start3A_58 = arith.constant 0 : i32
    %dma_start3A_59 = tpu.memref_slice %arg2[%mul3A_53, %dma_start3A_58] : memref<320000x128xf32, #tpu.memory_space<hbm>> -> memref<128x128xf32, #tpu.memory_space<hbm>>
    tpu.enqueue_dma source(%dma_start3A_59 : memref<128x128xf32, #tpu.memory_space<hbm>>) target(%arg11 : memref<128x128xf32, #tpu.memory_space<vmem>>) target_semaphore(%arg14 : memref<!tpu.dma_semaphore, #tpu.memory_space<semaphore_mem>>)
    %scan3A = arith.constant 0 : i32
    %scan3A_60 = arith.constant 39 : i32
    %scan3A_61 = arith.addi %scan3A, %scan3A_60 : i32
    %scan3A_62 = arith.constant 1 : i32
    scf.for %scan3A_200 = %scan3A to %scan3A_61 step %scan3A_62  : i32 {
      %mul3A_201 = arith.constant 2 : i32
      %mul3A_202 = arith.muli %scan3A_200, %mul3A_201 : i32
      %add3A_203 = arith.constant 0 : i32
      %add3A_204 = arith.addi %add3A_203, %mul3A_202 : i32
      %add3A_205 = arith.constant 0 : i32
      %add3A_206 = arith.addi %add3A_204, %add3A_205 : i32
      %mul3A_207 = arith.constant 32 : i32
      %mul3A_208 = arith.muli %add3A_206, %mul3A_207 : i32
      %add3A_209 = arith.addi %add3A, %mul3A_208 : i32
      %add3A_210 = arith.constant 32 : i32
      %add3A_211 = arith.addi %add3A_209, %add3A_210 : i32
      %mul3A_212 = arith.constant 128 : i32
      %mul3A_213 = arith.muli %add3A_209, %mul3A_212 : i32
      %dma_wait3A_214 = tpu.memref_slice %arg3[%mul3A_213] : memref<320000xi32, #tpu.memory_space<hbm>> -> memref<128xi32, #tpu.memory_space<hbm>>
      %dma_wait3A_215 = tpu.memref_slice %arg3[%mul3A_213] : memref<320000xi32, #tpu.memory_space<hbm>> -> memref<128xi32, #tpu.memory_space<hbm>>
      tpu.wait_dma2 semaphore(%arg14 : memref<!tpu.dma_semaphore, #tpu.memory_space<semaphore_mem>>) src(%dma_wait3A_215 : memref<128xi32, #tpu.memory_space<hbm>>) dst(%arg9 : memref<128xi32, #tpu.memory_space<vmem>>)
      %dma_wait3A_216 = arith.constant 0 : i32
      %dma_wait3A_217 = tpu.memref_slice %arg2[%mul3A_213, %dma_wait3A_216] : memref<320000x128xf32, #tpu.memory_space<hbm>> -> memref<128x128xf32, #tpu.memory_space<hbm>>
      %dma_wait3A_218 = arith.constant 0 : i32
      %dma_wait3A_219 = tpu.memref_slice %arg2[%mul3A_213, %dma_wait3A_218] : memref<320000x128xf32, #tpu.memory_space<hbm>> -> memref<128x128xf32, #tpu.memory_space<hbm>>
      tpu.wait_dma2 semaphore(%arg14 : memref<!tpu.dma_semaphore, #tpu.memory_space<semaphore_mem>>) src(%dma_wait3A_219 : memref<128x128xf32, #tpu.memory_space<hbm>>) dst(%arg11 : memref<128x128xf32, #tpu.memory_space<vmem>>)
      %lt3A_220 = arith.constant 2500 : i32
      %lt3A_221 = arith.cmpi slt, %add3A_211, %lt3A_220 : i32
      %convert_element_type3A_222 = arith.extui %lt3A_221 : i1 to i32
      %cond3A_223 = arith.constant 0 : i32
      %cond3A_224 = arith.cmpi ne, %convert_element_type3A_222, %cond3A_223 : i32
      scf.if %cond3A_224 {
        %mul3A_276 = arith.constant 128 : i32
        %mul3A_277 = arith.muli %add3A_211, %mul3A_276 : i32
        %dma_start3A_278 = tpu.memref_slice %arg3[%mul3A_277] : memref<320000xi32, #tpu.memory_space<hbm>> -> memref<128xi32, #tpu.memory_space<hbm>>
        %dma_start3A_279 = tpu.memref_slice %arg3[%mul3A_277] : memref<320000xi32, #tpu.memory_space<hbm>> -> memref<128xi32, #tpu.memory_space<hbm>>
        tpu.enqueue_dma source(%dma_start3A_279 : memref<128xi32, #tpu.memory_space<hbm>>) target(%arg10 : memref<128xi32, #tpu.memory_space<vmem>>) target_semaphore(%arg15 : memref<!tpu.dma_semaphore, #tpu.memory_space<semaphore_mem>>)
        %dma_start3A_280 = arith.constant 0 : i32
        %dma_start3A_281 = tpu.memref_slice %arg2[%mul3A_277, %dma_start3A_280] : memref<320000x128xf32, #tpu.memory_space<hbm>> -> memref<128x128xf32, #tpu.memory_space<hbm>>
        %dma_start3A_282 = arith.constant 0 : i32
        %dma_start3A_283 = tpu.memref_slice %arg2[%mul3A_277, %dma_start3A_282] : memref<320000x128xf32, #tpu.memory_space<hbm>> -> memref<128x128xf32, #tpu.memory_space<hbm>>
        tpu.enqueue_dma source(%dma_start3A_283 : memref<128x128xf32, #tpu.memory_space<hbm>>) target(%arg12 : memref<128x128xf32, #tpu.memory_space<vmem>>) target_semaphore(%arg15 : memref<!tpu.dma_semaphore, #tpu.memory_space<semaphore_mem>>)
      } else {
      }
      "tpu.region"() ({
        %run_scoped3A = tpu.sem_alloc : memref<!tpu.dma_semaphore, #tpu.memory_space<semaphore_mem>>
        %dma_start3A_276 = arith.constant 0 : i32
        %dma_start3A_277 = arith.constant 0 : i32
        %dma_start3A_278 = tpu.memref_slice %arg8[%dma_start3A_276, %dma_start3A_277] : memref<10240x128xf32, #tpu.memory_space<vmem_shared>> -> memref<10240x128xf32, #tpu.memory_space<vmem_shared>>
        tpu.enqueue_indirect_dma source(%arg11 : memref<128x128xf32, #tpu.memory_space<vmem>>) target(%dma_start3A_278 : memref<10240x128xf32, #tpu.memory_space<vmem_shared>>) offsets(%arg9 : memref<128xi32, #tpu.memory_space<vmem>>) semaphore(%run_scoped3A : memref<!tpu.dma_semaphore, #tpu.memory_space<semaphore_mem>>) {add = true}
        %dma_wait3A_279 = arith.constant 0 : i32
        %dma_wait3A_280 = arith.constant 0 : i32
        %dma_wait3A_281 = tpu.memref_slice %arg8[%dma_wait3A_279, %dma_wait3A_280] : memref<10240x128xf32, #tpu.memory_space<vmem_shared>> -> memref<10240x128xf32, #tpu.memory_space<vmem_shared>>
        tpu.wait_indirect_dma semaphore(%run_scoped3A : memref<!tpu.dma_semaphore, #tpu.memory_space<semaphore_mem>>) src(%arg11 : memref<128x128xf32, #tpu.memory_space<vmem>>) dst(%dma_wait3A_281 : memref<10240x128xf32, #tpu.memory_space<vmem_shared>>)
        tpu.yield
      }) : () -> ()
      %get3A = arith.constant 0 : index
      %get3A_225 = tpu.vector_load %arg9[%get3A] {strides = array<i32>} : memref<128xi32, #tpu.memory_space<vmem>>, vector<16xi32>,
      tpu.vector_store_idx %arg13[%get3A_225], %broadcast_in_dim3A_51 {add = true} : memref<10240xf32, #tpu.memory_space<vmem>>[vector<16xi32>], vector<16xf32>,
      %get3A_226 = arith.constant 16 : index
      %get3A_227 = tpu.vector_load %arg9[%get3A_226] {strides = array<i32>} : memref<128xi32, #tpu.memory_space<vmem>>, vector<16xi32>,
      tpu.vector_store_idx %arg13[%get3A_227], %broadcast_in_dim3A_51 {add = true} : memref<10240xf32, #tpu.memory_space<vmem>>[vector<16xi32>], vector<16xf32>,
      %get3A_228 = arith.constant 32 : index
      %get3A_229 = tpu.vector_load %arg9[%get3A_228] {strides = array<i32>} : memref<128xi32, #tpu.memory_space<vmem>>, vector<16xi32>,
      tpu.vector_store_idx %arg13[%get3A_229], %broadcast_in_dim3A_51 {add = true} : memref<10240xf32, #tpu.memory_space<vmem>>[vector<16xi32>], vector<16xf32>,
      %get3A_230 = arith.constant 48 : index
      %get3A_231 = tpu.vector_load %arg9[%get3A_230] {strides = array<i32>} : memref<128xi32, #tpu.memory_space<vmem>>, vector<16xi32>,
      tpu.vector_store_idx %arg13[%get3A_231], %broadcast_in_dim3A_51 {add = true} : memref<10240xf32, #tpu.memory_space<vmem>>[vector<16xi32>], vector<16xf32>,
      %get3A_232 = arith.constant 64 : index
      %get3A_233 = tpu.vector_load %arg9[%get3A_232] {strides = array<i32>} : memref<128xi32, #tpu.memory_space<vmem>>, vector<16xi32>,
      tpu.vector_store_idx %arg13[%get3A_233], %broadcast_in_dim3A_51 {add = true} : memref<10240xf32, #tpu.memory_space<vmem>>[vector<16xi32>], vector<16xf32>,
      %get3A_234 = arith.constant 80 : index
      %get3A_235 = tpu.vector_load %arg9[%get3A_234] {strides = array<i32>} : memref<128xi32, #tpu.memory_space<vmem>>, vector<16xi32>,
      tpu.vector_store_idx %arg13[%get3A_235], %broadcast_in_dim3A_51 {add = true} : memref<10240xf32, #tpu.memory_space<vmem>>[vector<16xi32>], vector<16xf32>,
      %get3A_236 = arith.constant 96 : index
      %get3A_237 = tpu.vector_load %arg9[%get3A_236] {strides = array<i32>} : memref<128xi32, #tpu.memory_space<vmem>>, vector<16xi32>,
      tpu.vector_store_idx %arg13[%get3A_237], %broadcast_in_dim3A_51 {add = true} : memref<10240xf32, #tpu.memory_space<vmem>>[vector<16xi32>], vector<16xf32>,
      %get3A_238 = arith.constant 112 : index
      %get3A_239 = tpu.vector_load %arg9[%get3A_238] {strides = array<i32>} : memref<128xi32, #tpu.memory_space<vmem>>, vector<16xi32>,
      tpu.vector_store_idx %arg13[%get3A_239], %broadcast_in_dim3A_51 {add = true} : memref<10240xf32, #tpu.memory_space<vmem>>[vector<16xi32>], vector<16xf32>,
      %add3A_240 = arith.constant 1 : i32
      %add3A_241 = arith.addi %add3A_204, %add3A_240 : i32
      %mul3A_242 = arith.constant 32 : i32
      %mul3A_243 = arith.muli %add3A_241, %mul3A_242 : i32
      %add3A_244 = arith.addi %add3A, %mul3A_243 : i32
      %add3A_245 = arith.constant 32 : i32
      %add3A_246 = arith.addi %add3A_244, %add3A_245 : i32
      %mul3A_247 = arith.constant 128 : i32
      %mul3A_248 = arith.muli %add3A_244, %mul3A_247 : i32
      %dma_wait3A_249 = tpu.memref_slice %arg3[%mul3A_248] : memref<320000xi32, #tpu.memory_space<hbm>> -> memref<128xi32, #tpu.memory_space<hbm>>
      %dma_wait3A_250 = tpu.memref_slice %arg3[%mul3A_248] : memref<320000xi32, #tpu.memory_space<hbm>> -> memref<128xi32, #tpu.memory_space<hbm>>
      tpu.wait_dma2 semaphore(%arg15 : memref<!tpu.dma_semaphore, #tpu.memory_space<semaphore_mem>>) src(%dma_wait3A_250 : memref<128xi32, #tpu.memory_space<hbm>>) dst(%arg10 : memref<128xi32, #tpu.memory_space<vmem>>)
      %dma_wait3A_251 = arith.constant 0 : i32
      %dma_wait3A_252 = tpu.memref_slice %arg2[%mul3A_248, %dma_wait3A_251] : memref<320000x128xf32, #tpu.memory_space<hbm>> -> memref<128x128xf32, #tpu.memory_space<hbm>>
      %dma_wait3A_253 = arith.constant 0 : i32
      %dma_wait3A_254 = tpu.memref_slice %arg2[%mul3A_248, %dma_wait3A_253] : memref<320000x128xf32, #tpu.memory_space<hbm>> -> memref<128x128xf32, #tpu.memory_space<hbm>>
      tpu.wait_dma2 semaphore(%arg15 : memref<!tpu.dma_semaphore, #tpu.memory_space<semaphore_mem>>) src(%dma_wait3A_254 : memref<128x128xf32, #tpu.memory_space<hbm>>) dst(%arg12 : memref<128x128xf32, #tpu.memory_space<vmem>>)
      %lt3A_255 = arith.constant 2500 : i32
      %lt3A_256 = arith.cmpi slt, %add3A_246, %lt3A_255 : i32
      %convert_element_type3A_257 = arith.extui %lt3A_256 : i1 to i32
      %cond3A_258 = arith.constant 0 : i32
      %cond3A_259 = arith.cmpi ne, %convert_element_type3A_257, %cond3A_258 : i32
      scf.if %cond3A_259 {
        %mul3A_276 = arith.constant 128 : i32
        %mul3A_277 = arith.muli %add3A_246, %mul3A_276 : i32
        %dma_start3A_278 = tpu.memref_slice %arg3[%mul3A_277] : memref<320000xi32, #tpu.memory_space<hbm>> -> memref<128xi32, #tpu.memory_space<hbm>>
        %dma_start3A_279 = tpu.memref_slice %arg3[%mul3A_277] : memref<320000xi32, #tpu.memory_space<hbm>> -> memref<128xi32, #tpu.memory_space<hbm>>
        tpu.enqueue_dma source(%dma_start3A_279 : memref<128xi32, #tpu.memory_space<hbm>>) target(%arg9 : memref<128xi32, #tpu.memory_space<vmem>>) target_semaphore(%arg14 : memref<!tpu.dma_semaphore, #tpu.memory_space<semaphore_mem>>)
        %dma_start3A_280 = arith.constant 0 : i32
        %dma_start3A_281 = tpu.memref_slice %arg2[%mul3A_277, %dma_start3A_280] : memref<320000x128xf32, #tpu.memory_space<hbm>> -> memref<128x128xf32, #tpu.memory_space<hbm>>
        %dma_start3A_282 = arith.constant 0 : i32
        %dma_start3A_283 = tpu.memref_slice %arg2[%mul3A_277, %dma_start3A_282] : memref<320000x128xf32, #tpu.memory_space<hbm>> -> memref<128x128xf32, #tpu.memory_space<hbm>>
        tpu.enqueue_dma source(%dma_start3A_283 : memref<128x128xf32, #tpu.memory_space<hbm>>) target(%arg11 : memref<128x128xf32, #tpu.memory_space<vmem>>) target_semaphore(%arg14 : memref<!tpu.dma_semaphore, #tpu.memory_space<semaphore_mem>>)
      } else {
      }
      "tpu.region"() ({
        %run_scoped3A = tpu.sem_alloc : memref<!tpu.dma_semaphore, #tpu.memory_space<semaphore_mem>>
        %dma_start3A_276 = arith.constant 0 : i32
        %dma_start3A_277 = arith.constant 0 : i32
        %dma_start3A_278 = tpu.memref_slice %arg8[%dma_start3A_276, %dma_start3A_277] : memref<10240x128xf32, #tpu.memory_space<vmem_shared>> -> memref<10240x128xf32, #tpu.memory_space<vmem_shared>>
        tpu.enqueue_indirect_dma source(%arg12 : memref<128x128xf32, #tpu.memory_space<vmem>>) target(%dma_start3A_278 : memref<10240x128xf32, #tpu.memory_space<vmem_shared>>) offsets(%arg10 : memref<128xi32, #tpu.memory_space<vmem>>) semaphore(%run_scoped3A : memref<!tpu.dma_semaphore, #tpu.memory_space<semaphore_mem>>) {add = true}
        %dma_wait3A_279 = arith.constant 0 : i32
        %dma_wait3A_280 = arith.constant 0 : i32
        %dma_wait3A_281 = tpu.memref_slice %arg8[%dma_wait3A_279, %dma_wait3A_280] : memref<10240x128xf32, #tpu.memory_space<vmem_shared>> -> memref<10240x128xf32, #tpu.memory_space<vmem_shared>>
        tpu.wait_indirect_dma semaphore(%run_scoped3A : memref<!tpu.dma_semaphore, #tpu.memory_space<semaphore_mem>>) src(%arg12 : memref<128x128xf32, #tpu.memory_space<vmem>>) dst(%dma_wait3A_281 : memref<10240x128xf32, #tpu.memory_space<vmem_shared>>)
        tpu.yield
      }) : () -> ()
      %get3A_260 = arith.constant 0 : index
      %get3A_261 = tpu.vector_load %arg10[%get3A_260] {strides = array<i32>} : memref<128xi32, #tpu.memory_space<vmem>>, vector<16xi32>,
      tpu.vector_store_idx %arg13[%get3A_261], %broadcast_in_dim3A_51 {add = true} : memref<10240xf32, #tpu.memory_space<vmem>>[vector<16xi32>], vector<16xf32>,
      %get3A_262 = arith.constant 16 : index
      %get3A_263 = tpu.vector_load %arg10[%get3A_262] {strides = array<i32>} : memref<128xi32, #tpu.memory_space<vmem>>, vector<16xi32>,
      tpu.vector_store_idx %arg13[%get3A_263], %broadcast_in_dim3A_51 {add = true} : memref<10240xf32, #tpu.memory_space<vmem>>[vector<16xi32>], vector<16xf32>,
      %get3A_264 = arith.constant 32 : index
      %get3A_265 = tpu.vector_load %arg10[%get3A_264] {strides = array<i32>} : memref<128xi32, #tpu.memory_space<vmem>>, vector<16xi32>,
      tpu.vector_store_idx %arg13[%get3A_265], %broadcast_in_dim3A_51 {add = true} : memref<10240xf32, #tpu.memory_space<vmem>>[vector<16xi32>], vector<16xf32>,
      %get3A_266 = arith.constant 48 : index
      %get3A_267 = tpu.vector_load %arg10[%get3A_266] {strides = array<i32>} : memref<128xi32, #tpu.memory_space<vmem>>, vector<16xi32>,
      tpu.vector_store_idx %arg13[%get3A_267], %broadcast_in_dim3A_51 {add = true} : memref<10240xf32, #tpu.memory_space<vmem>>[vector<16xi32>], vector<16xf32>,
      %get3A_268 = arith.constant 64 : index
      %get3A_269 = tpu.vector_load %arg10[%get3A_268] {strides = array<i32>} : memref<128xi32, #tpu.memory_space<vmem>>, vector<16xi32>,
      tpu.vector_store_idx %arg13[%get3A_269], %broadcast_in_dim3A_51 {add = true} : memref<10240xf32, #tpu.memory_space<vmem>>[vector<16xi32>], vector<16xf32>,
      %get3A_270 = arith.constant 80 : index
      %get3A_271 = tpu.vector_load %arg10[%get3A_270] {strides = array<i32>} : memref<128xi32, #tpu.memory_space<vmem>>, vector<16xi32>,
      tpu.vector_store_idx %arg13[%get3A_271], %broadcast_in_dim3A_51 {add = true} : memref<10240xf32, #tpu.memory_space<vmem>>[vector<16xi32>], vector<16xf32>,
      %get3A_272 = arith.constant 96 : index
      %get3A_273 = tpu.vector_load %arg10[%get3A_272] {strides = array<i32>} : memref<128xi32, #tpu.memory_space<vmem>>, vector<16xi32>,
      tpu.vector_store_idx %arg13[%get3A_273], %broadcast_in_dim3A_51 {add = true} : memref<10240xf32, #tpu.memory_space<vmem>>[vector<16xi32>], vector<16xf32>,
      %get3A_274 = arith.constant 112 : index
      %get3A_275 = tpu.vector_load %arg10[%get3A_274] {strides = array<i32>} : memref<128xi32, #tpu.memory_space<vmem>>, vector<16xi32>,
      tpu.vector_store_idx %arg13[%get3A_275], %broadcast_in_dim3A_51 {add = true} : memref<10240xf32, #tpu.memory_space<vmem>>[vector<16xi32>], vector<16xf32>,
    }
    %scan3A_63 = arith.constant 39 : i32
    %add3A_64 = arith.constant 2496 : i32
    %add3A_65 = arith.addi %add3A, %add3A_64 : i32
    %lt3A = arith.constant 2500 : i32
    %lt3A_66 = arith.cmpi slt, %add3A_65, %lt3A : i32
    %convert_element_type3A = arith.extui %lt3A_66 : i1 to i32
    %cond3A = arith.constant 0 : i32
    %cond3A_67 = arith.cmpi ne, %convert_element_type3A, %cond3A : i32
    scf.if %cond3A_67 {
      %mul3A_200 = arith.constant 128 : i32
      %mul3A_201 = arith.muli %add3A_65, %mul3A_200 : i32
      %dma_wait3A_202 = tpu.memref_slice %arg3[%mul3A_201] : memref<320000xi32, #tpu.memory_space<hbm>> -> memref<128xi32, #tpu.memory_space<hbm>>
      %dma_wait3A_203 = tpu.memref_slice %arg3[%mul3A_201] : memref<320000xi32, #tpu.memory_space<hbm>> -> memref<128xi32, #tpu.memory_space<hbm>>
      tpu.wait_dma2 semaphore(%arg14 : memref<!tpu.dma_semaphore, #tpu.memory_space<semaphore_mem>>) src(%dma_wait3A_203 : memref<128xi32, #tpu.memory_space<hbm>>) dst(%arg9 : memref<128xi32, #tpu.memory_space<vmem>>)
      %dma_wait3A_204 = arith.constant 0 : i32
      %dma_wait3A_205 = tpu.memref_slice %arg2[%mul3A_201, %dma_wait3A_204] : memref<320000x128xf32, #tpu.memory_space<hbm>> -> memref<128x128xf32, #tpu.memory_space<hbm>>
      %dma_wait3A_206 = arith.constant 0 : i32
      %dma_wait3A_207 = tpu.memref_slice %arg2[%mul3A_201, %dma_wait3A_206] : memref<320000x128xf32, #tpu.memory_space<hbm>> -> memref<128x128xf32, #tpu.memory_space<hbm>>
      tpu.wait_dma2 semaphore(%arg14 : memref<!tpu.dma_semaphore, #tpu.memory_space<semaphore_mem>>) src(%dma_wait3A_207 : memref<128x128xf32, #tpu.memory_space<hbm>>) dst(%arg11 : memref<128x128xf32, #tpu.memory_space<vmem>>)
      "tpu.region"() ({
        %run_scoped3A = tpu.sem_alloc : memref<!tpu.dma_semaphore, #tpu.memory_space<semaphore_mem>>
        %dma_start3A_223 = arith.constant 0 : i32
        %dma_start3A_224 = arith.constant 0 : i32
        %dma_start3A_225 = tpu.memref_slice %arg8[%dma_start3A_223, %dma_start3A_224] : memref<10240x128xf32, #tpu.memory_space<vmem_shared>> -> memref<10240x128xf32, #tpu.memory_space<vmem_shared>>
        tpu.enqueue_indirect_dma source(%arg11 : memref<128x128xf32, #tpu.memory_space<vmem>>) target(%dma_start3A_225 : memref<10240x128xf32, #tpu.memory_space<vmem_shared>>) offsets(%arg9 : memref<128xi32, #tpu.memory_space<vmem>>) semaphore(%run_scoped3A : memref<!tpu.dma_semaphore, #tpu.memory_space<semaphore_mem>>) {add = true}
        %dma_wait3A_226 = arith.constant 0 : i32
        %dma_wait3A_227 = arith.constant 0 : i32
        %dma_wait3A_228 = tpu.memref_slice %arg8[%dma_wait3A_226, %dma_wait3A_227] : memref<10240x128xf32, #tpu.memory_space<vmem_shared>> -> memref<10240x128xf32, #tpu.memory_space<vmem_shared>>
        tpu.wait_indirect_dma semaphore(%run_scoped3A : memref<!tpu.dma_semaphore, #tpu.memory_space<semaphore_mem>>) src(%arg11 : memref<128x128xf32, #tpu.memory_space<vmem>>) dst(%dma_wait3A_228 : memref<10240x128xf32, #tpu.memory_space<vmem_shared>>)
        tpu.yield
      }) : () -> ()
      %get3A = arith.constant 0 : index
      %get3A_208 = tpu.vector_load %arg9[%get3A] {strides = array<i32>} : memref<128xi32, #tpu.memory_space<vmem>>, vector<16xi32>,
      tpu.vector_store_idx %arg13[%get3A_208], %broadcast_in_dim3A_51 {add = true} : memref<10240xf32, #tpu.memory_space<vmem>>[vector<16xi32>], vector<16xf32>,
      %get3A_209 = arith.constant 16 : index
      %get3A_210 = tpu.vector_load %arg9[%get3A_209] {strides = array<i32>} : memref<128xi32, #tpu.memory_space<vmem>>, vector<16xi32>,
      tpu.vector_store_idx %arg13[%get3A_210], %broadcast_in_dim3A_51 {add = true} : memref<10240xf32, #tpu.memory_space<vmem>>[vector<16xi32>], vector<16xf32>,
      %get3A_211 = arith.constant 32 : index
      %get3A_212 = tpu.vector_load %arg9[%get3A_211] {strides = array<i32>} : memref<128xi32, #tpu.memory_space<vmem>>, vector<16xi32>,
      tpu.vector_store_idx %arg13[%get3A_212], %broadcast_in_dim3A_51 {add = true} : memref<10240xf32, #tpu.memory_space<vmem>>[vector<16xi32>], vector<16xf32>,
      %get3A_213 = arith.constant 48 : index
      %get3A_214 = tpu.vector_load %arg9[%get3A_213] {strides = array<i32>} : memref<128xi32, #tpu.memory_space<vmem>>, vector<16xi32>,
      tpu.vector_store_idx %arg13[%get3A_214], %broadcast_in_dim3A_51 {add = true} : memref<10240xf32, #tpu.memory_space<vmem>>[vector<16xi32>], vector<16xf32>,
      %get3A_215 = arith.constant 64 : index
      %get3A_216 = tpu.vector_load %arg9[%get3A_215] {strides = array<i32>} : memref<128xi32, #tpu.memory_space<vmem>>, vector<16xi32>,
      tpu.vector_store_idx %arg13[%get3A_216], %broadcast_in_dim3A_51 {add = true} : memref<10240xf32, #tpu.memory_space<vmem>>[vector<16xi32>], vector<16xf32>,
      %get3A_217 = arith.constant 80 : index
      %get3A_218 = tpu.vector_load %arg9[%get3A_217] {strides = array<i32>} : memref<128xi32, #tpu.memory_space<vmem>>, vector<16xi32>,
      tpu.vector_store_idx %arg13[%get3A_218], %broadcast_in_dim3A_51 {add = true} : memref<10240xf32, #tpu.memory_space<vmem>>[vector<16xi32>], vector<16xf32>,
      %get3A_219 = arith.constant 96 : index
      %get3A_220 = tpu.vector_load %arg9[%get3A_219] {strides = array<i32>} : memref<128xi32, #tpu.memory_space<vmem>>, vector<16xi32>,
      tpu.vector_store_idx %arg13[%get3A_220], %broadcast_in_dim3A_51 {add = true} : memref<10240xf32, #tpu.memory_space<vmem>>[vector<16xi32>], vector<16xf32>,
      %get3A_221 = arith.constant 112 : index
      %get3A_222 = tpu.vector_load %arg9[%get3A_221] {strides = array<i32>} : memref<128xi32, #tpu.memory_space<vmem>>, vector<16xi32>,
      tpu.vector_store_idx %arg13[%get3A_222], %broadcast_in_dim3A_51 {add = true} : memref<10240xf32, #tpu.memory_space<vmem>>[vector<16xi32>], vector<16xf32>,
    } else {
    }
    %barrier3A_68 = arith.constant 0 : index
    tpu.barrier barrier_id(%barrier3A_68)
    %mul3A_69 = arith.constant 10240 : i32
    %mul3A_70 = arith.muli %arg0, %mul3A_69 : i32
    %add3A_71 = arith.addi %mul3A_70, %mul3A_2 : i32
    %mul3A_72 = arith.constant 10240 : i32
    %mul3A_73 = arith.muli %add3A, %mul3A_72 : i32
    %dma_start3A_74 = tpu.memref_slice %arg7[%mul3A_73] : memref<327680xf32, #tpu.memory_space<hbm>> -> memref<10240xf32, #tpu.memory_space<hbm>>
    %dma_start3A_75 = tpu.memref_slice %arg7[%mul3A_73] : memref<327680xf32, #tpu.memory_space<hbm>> -> memref<10240xf32, #tpu.memory_space<hbm>>
    tpu.enqueue_dma source(%arg13 : memref<10240xf32, #tpu.memory_space<vmem>>) target(%dma_start3A_75 : memref<10240xf32, #tpu.memory_space<hbm>>) target_semaphore(%arg16 : memref<!tpu.dma_semaphore, #tpu.memory_space<semaphore_mem>>)
    %add3A_76 = arith.constant 0 : i32
    %add3A_77 = arith.addi %mul3A_2, %add3A_76 : i32
    %dma_start3A_78 = arith.constant 0 : i32
    %dma_start3A_79 = tpu.memref_slice %arg8[%add3A_77, %dma_start3A_78] : memref<10240x128xf32, #tpu.memory_space<vmem_shared>> -> memref<128x128xf32, #tpu.memory_space<vmem_shared>>
    %dma_start3A_80 = arith.constant 0 : i32
    %dma_start3A_81 = tpu.memref_slice %arg8[%add3A_77, %dma_start3A_80] : memref<10240x128xf32, #tpu.memory_space<vmem_shared>> -> memref<128x128xf32, #tpu.memory_space<vmem_shared>>
    tpu.enqueue_dma source(%dma_start3A_81 : memref<128x128xf32, #tpu.memory_space<vmem_shared>>) target(%arg11 : memref<128x128xf32, #tpu.memory_space<vmem>>) target_semaphore(%arg14 : memref<!tpu.dma_semaphore, #tpu.memory_space<semaphore_mem>>)
    %add3A_82 = arith.constant 0 : i32
    %add3A_83 = arith.addi %mul3A_2, %add3A_82 : i32
    %dma_wait3A_84 = arith.constant 0 : i32
    %dma_wait3A_85 = tpu.memref_slice %arg8[%add3A_83, %dma_wait3A_84] : memref<10240x128xf32, #tpu.memory_space<vmem_shared>> -> memref<128x128xf32, #tpu.memory_space<vmem_shared>>
    %dma_wait3A_86 = arith.constant 0 : i32
    %dma_wait3A_87 = tpu.memref_slice %arg8[%add3A_83, %dma_wait3A_86] : memref<10240x128xf32, #tpu.memory_space<vmem_shared>> -> memref<128x128xf32, #tpu.memory_space<vmem_shared>>
    tpu.wait_dma2 semaphore(%arg14 : memref<!tpu.dma_semaphore, #tpu.memory_space<semaphore_mem>>) src(%dma_wait3A_87 : memref<128x128xf32, #tpu.memory_space<vmem_shared>>) dst(%arg11 : memref<128x128xf32, #tpu.memory_space<vmem>>)
    %add3A_88 = arith.constant 128 : i32
    %add3A_89 = arith.addi %mul3A_2, %add3A_88 : i32
    %dma_start3A_90 = arith.constant 0 : i32
    %dma_start3A_91 = tpu.memref_slice %arg8[%add3A_89, %dma_start3A_90] : memref<10240x128xf32, #tpu.memory_space<vmem_shared>> -> memref<128x128xf32, #tpu.memory_space<vmem_shared>>
    %dma_start3A_92 = arith.constant 0 : i32
    %dma_start3A_93 = tpu.memref_slice %arg8[%add3A_89, %dma_start3A_92] : memref<10240x128xf32, #tpu.memory_space<vmem_shared>> -> memref<128x128xf32, #tpu.memory_space<vmem_shared>>
    tpu.enqueue_dma source(%dma_start3A_93 : memref<128x128xf32, #tpu.memory_space<vmem_shared>>) target(%arg12 : memref<128x128xf32, #tpu.memory_space<vmem>>) target_semaphore(%arg15 : memref<!tpu.dma_semaphore, #tpu.memory_space<semaphore_mem>>)
    %add3A_94 = arith.constant 0 : i32
    %add3A_95 = arith.addi %add3A_71, %add3A_94 : i32
    %dma_start3A_96 = arith.constant 0 : i32
    %dma_start3A_97 = tpu.memref_slice %arg6[%add3A_95, %dma_start3A_96] : memref<20480x128xf32, #tpu.memory_space<hbm>> -> memref<128x128xf32, #tpu.memory_space<hbm>>
    %dma_start3A_98 = arith.constant 0 : i32
    %dma_start3A_99 = tpu.memref_slice %arg6[%add3A_95, %dma_start3A_98] : memref<20480x128xf32, #tpu.memory_space<hbm>> -> memref<128x128xf32, #tpu.memory_space<hbm>>
    tpu.enqueue_dma source(%arg11 : memref<128x128xf32, #tpu.memory_space<vmem>>) target(%dma_start3A_99 : memref<128x128xf32, #tpu.memory_space<hbm>>) target_semaphore(%arg14 : memref<!tpu.dma_semaphore, #tpu.memory_space<semaphore_mem>>)
    %add3A_100 = arith.constant 128 : i32
    %add3A_101 = arith.addi %mul3A_2, %add3A_100 : i32
    %dma_wait3A_102 = arith.constant 0 : i32
    %dma_wait3A_103 = tpu.memref_slice %arg8[%add3A_101, %dma_wait3A_102] : memref<10240x128xf32, #tpu.memory_space<vmem_shared>> -> memref<128x128xf32, #tpu.memory_space<vmem_shared>>
    %dma_wait3A_104 = arith.constant 0 : i32
    %dma_wait3A_105 = tpu.memref_slice %arg8[%add3A_101, %dma_wait3A_104] : memref<10240x128xf32, #tpu.memory_space<vmem_shared>> -> memref<128x128xf32, #tpu.memory_space<vmem_shared>>
    tpu.wait_dma2 semaphore(%arg15 : memref<!tpu.dma_semaphore, #tpu.memory_space<semaphore_mem>>) src(%dma_wait3A_105 : memref<128x128xf32, #tpu.memory_space<vmem_shared>>) dst(%arg12 : memref<128x128xf32, #tpu.memory_space<vmem>>)
    %add3A_106 = arith.constant 0 : i32
    %add3A_107 = arith.addi %add3A_71, %add3A_106 : i32
    %dma_wait3A_108 = arith.constant 0 : i32
    %dma_wait3A_109 = tpu.memref_slice %arg6[%add3A_107, %dma_wait3A_108] : memref<20480x128xf32, #tpu.memory_space<hbm>> -> memref<128x128xf32, #tpu.memory_space<hbm>>
    %dma_wait3A_110 = arith.constant 0 : i32
    %dma_wait3A_111 = tpu.memref_slice %arg6[%add3A_107, %dma_wait3A_110] : memref<20480x128xf32, #tpu.memory_space<hbm>> -> memref<128x128xf32, #tpu.memory_space<hbm>>
    tpu.wait_dma2 semaphore(%arg14 : memref<!tpu.dma_semaphore, #tpu.memory_space<semaphore_mem>>) src(%arg11 : memref<128x128xf32, #tpu.memory_space<vmem>>) dst(%dma_wait3A_111 : memref<128x128xf32, #tpu.memory_space<hbm>>)
    %add3A_112 = arith.constant 256 : i32
    %add3A_113 = arith.addi %mul3A_2, %add3A_112 : i32
    %dma_start3A_114 = arith.constant 0 : i32
    %dma_start3A_115 = tpu.memref_slice %arg8[%add3A_113, %dma_start3A_114] : memref<10240x128xf32, #tpu.memory_space<vmem_shared>> -> memref<128x128xf32, #tpu.memory_space<vmem_shared>>
    %dma_start3A_116 = arith.constant 0 : i32
    %dma_start3A_117 = tpu.memref_slice %arg8[%add3A_113, %dma_start3A_116] : memref<10240x128xf32, #tpu.memory_space<vmem_shared>> -> memref<128x128xf32, #tpu.memory_space<vmem_shared>>
    tpu.enqueue_dma source(%dma_start3A_117 : memref<128x128xf32, #tpu.memory_space<vmem_shared>>) target(%arg11 : memref<128x128xf32, #tpu.memory_space<vmem>>) target_semaphore(%arg14 : memref<!tpu.dma_semaphore, #tpu.memory_space<semaphore_mem>>)
    %add3A_118 = arith.constant 128 : i32
    %add3A_119 = arith.addi %add3A_71, %add3A_118 : i32
    %dma_start3A_120 = arith.constant 0 : i32
    %dma_start3A_121 = tpu.memref_slice %arg6[%add3A_119, %dma_start3A_120] : memref<20480x128xf32, #tpu.memory_space<hbm>> -> memref<128x128xf32, #tpu.memory_space<hbm>>
    %dma_start3A_122 = arith.constant 0 : i32
    %dma_start3A_123 = tpu.memref_slice %arg6[%add3A_119, %dma_start3A_122] : memref<20480x128xf32, #tpu.memory_space<hbm>> -> memref<128x128xf32, #tpu.memory_space<hbm>>
    tpu.enqueue_dma source(%arg12 : memref<128x128xf32, #tpu.memory_space<vmem>>) target(%dma_start3A_123 : memref<128x128xf32, #tpu.memory_space<hbm>>) target_semaphore(%arg15 : memref<!tpu.dma_semaphore, #tpu.memory_space<semaphore_mem>>)
    %add3A_124 = arith.constant 256 : i32
    %add3A_125 = arith.addi %mul3A_2, %add3A_124 : i32
    %dma_wait3A_126 = arith.constant 0 : i32
    %dma_wait3A_127 = tpu.memref_slice %arg8[%add3A_125, %dma_wait3A_126] : memref<10240x128xf32, #tpu.memory_space<vmem_shared>> -> memref<128x128xf32, #tpu.memory_space<vmem_shared>>
    %dma_wait3A_128 = arith.constant 0 : i32
    %dma_wait3A_129 = tpu.memref_slice %arg8[%add3A_125, %dma_wait3A_128] : memref<10240x128xf32, #tpu.memory_space<vmem_shared>> -> memref<128x128xf32, #tpu.memory_space<vmem_shared>>
    tpu.wait_dma2 semaphore(%arg14 : memref<!tpu.dma_semaphore, #tpu.memory_space<semaphore_mem>>) src(%dma_wait3A_129 : memref<128x128xf32, #tpu.memory_space<vmem_shared>>) dst(%arg11 : memref<128x128xf32, #tpu.memory_space<vmem>>)
    %add3A_130 = arith.constant 128 : i32
    %add3A_131 = arith.addi %add3A_71, %add3A_130 : i32
    %dma_wait3A_132 = arith.constant 0 : i32
    %dma_wait3A_133 = tpu.memref_slice %arg6[%add3A_131, %dma_wait3A_132] : memref<20480x128xf32, #tpu.memory_space<hbm>> -> memref<128x128xf32, #tpu.memory_space<hbm>>
    %dma_wait3A_134 = arith.constant 0 : i32
    %dma_wait3A_135 = tpu.memref_slice %arg6[%add3A_131, %dma_wait3A_134] : memref<20480x128xf32, #tpu.memory_space<hbm>> -> memref<128x128xf32, #tpu.memory_space<hbm>>
    tpu.wait_dma2 semaphore(%arg15 : memref<!tpu.dma_semaphore, #tpu.memory_space<semaphore_mem>>) src(%arg12 : memref<128x128xf32, #tpu.memory_space<vmem>>) dst(%dma_wait3A_135 : memref<128x128xf32, #tpu.memory_space<hbm>>)
    %add3A_136 = arith.constant 384 : i32
    %add3A_137 = arith.addi %mul3A_2, %add3A_136 : i32
    %dma_start3A_138 = arith.constant 0 : i32
    %dma_start3A_139 = tpu.memref_slice %arg8[%add3A_137, %dma_start3A_138] : memref<10240x128xf32, #tpu.memory_space<vmem_shared>> -> memref<128x128xf32, #tpu.memory_space<vmem_shared>>
    %dma_start3A_140 = arith.constant 0 : i32
    %dma_start3A_141 = tpu.memref_slice %arg8[%add3A_137, %dma_start3A_140] : memref<10240x128xf32, #tpu.memory_space<vmem_shared>> -> memref<128x128xf32, #tpu.memory_space<vmem_shared>>
    tpu.enqueue_dma source(%dma_start3A_141 : memref<128x128xf32, #tpu.memory_space<vmem_shared>>) target(%arg12 : memref<128x128xf32, #tpu.memory_space<vmem>>) target_semaphore(%arg15 : memref<!tpu.dma_semaphore, #tpu.memory_space<semaphore_mem>>)
    %add3A_142 = arith.constant 256 : i32
    %add3A_143 = arith.addi %add3A_71, %add3A_142 : i32
    %dma_start3A_144 = arith.constant 0 : i32
    %dma_start3A_145 = tpu.memref_slice %arg6[%add3A_143, %dma_start3A_144] : memref<20480x128xf32, #tpu.memory_space<hbm>> -> memref<128x128xf32, #tpu.memory_space<hbm>>
    %dma_start3A_146 = arith.constant 0 : i32
    %dma_start3A_147 = tpu.memref_slice %arg6[%add3A_143, %dma_start3A_146] : memref<20480x128xf32, #tpu.memory_space<hbm>> -> memref<128x128xf32, #tpu.memory_space<hbm>>
    tpu.enqueue_dma source(%arg11 : memref<128x128xf32, #tpu.memory_space<vmem>>) target(%dma_start3A_147 : memref<128x128xf32, #tpu.memory_space<hbm>>) target_semaphore(%arg14 : memref<!tpu.dma_semaphore, #tpu.memory_space<semaphore_mem>>)
    %add3A_148 = arith.constant 384 : i32
    %add3A_149 = arith.addi %mul3A_2, %add3A_148 : i32
    %dma_wait3A_150 = arith.constant 0 : i32
    %dma_wait3A_151 = tpu.memref_slice %arg8[%add3A_149, %dma_wait3A_150] : memref<10240x128xf32, #tpu.memory_space<vmem_shared>> -> memref<128x128xf32, #tpu.memory_space<vmem_shared>>
    %dma_wait3A_152 = arith.constant 0 : i32
    %dma_wait3A_153 = tpu.memref_slice %arg8[%add3A_149, %dma_wait3A_152] : memref<10240x128xf32, #tpu.memory_space<vmem_shared>> -> memref<128x128xf32, #tpu.memory_space<vmem_shared>>
    tpu.wait_dma2 semaphore(%arg15 : memref<!tpu.dma_semaphore, #tpu.memory_space<semaphore_mem>>) src(%dma_wait3A_153 : memref<128x128xf32, #tpu.memory_space<vmem_shared>>) dst(%arg12 : memref<128x128xf32, #tpu.memory_space<vmem>>)
    %add3A_154 = arith.constant 256 : i32
    %add3A_155 = arith.addi %add3A_71, %add3A_154 : i32
    %dma_wait3A_156 = arith.constant 0 : i32
    %dma_wait3A_157 = tpu.memref_slice %arg6[%add3A_155, %dma_wait3A_156] : memref<20480x128xf32, #tpu.memory_space<hbm>> -> memref<128x128xf32, #tpu.memory_space<hbm>>
    %dma_wait3A_158 = arith.constant 0 : i32
    %dma_wait3A_159 = tpu.memref_slice %arg6[%add3A_155, %dma_wait3A_158] : memref<20480x128xf32, #tpu.memory_space<hbm>> -> memref<128x128xf32, #tpu.memory_space<hbm>>
    tpu.wait_dma2 semaphore(%arg14 : memref<!tpu.dma_semaphore, #tpu.memory_space<semaphore_mem>>) src(%arg11 : memref<128x128xf32, #tpu.memory_space<vmem>>) dst(%dma_wait3A_159 : memref<128x128xf32, #tpu.memory_space<hbm>>)
    %add3A_160 = arith.constant 512 : i32
    %add3A_161 = arith.addi %mul3A_2, %add3A_160 : i32
    %dma_start3A_162 = arith.constant 0 : i32
    %dma_start3A_163 = tpu.memref_slice %arg8[%add3A_161, %dma_start3A_162] : memref<10240x128xf32, #tpu.memory_space<vmem_shared>> -> memref<128x128xf32, #tpu.memory_space<vmem_shared>>
    %dma_start3A_164 = arith.constant 0 : i32
    %dma_start3A_165 = tpu.memref_slice %arg8[%add3A_161, %dma_start3A_164] : memref<10240x128xf32, #tpu.memory_space<vmem_shared>> -> memref<128x128xf32, #tpu.memory_space<vmem_shared>>
    tpu.enqueue_dma source(%dma_start3A_165 : memref<128x128xf32, #tpu.memory_space<vmem_shared>>) target(%arg11 : memref<128x128xf32, #tpu.memory_space<vmem>>) target_semaphore(%arg14 : memref<!tpu.dma_semaphore, #tpu.memory_space<semaphore_mem>>)
    %add3A_166 = arith.constant 384 : i32
    %add3A_167 = arith.addi %add3A_71, %add3A_166 : i32
    %dma_start3A_168 = arith.constant 0 : i32
    %dma_start3A_169 = tpu.memref_slice %arg6[%add3A_167, %dma_start3A_168] : memref<20480x128xf32, #tpu.memory_space<hbm>> -> memref<128x128xf32, #tpu.memory_space<hbm>>
    %dma_start3A_170 = arith.constant 0 : i32
    %dma_start3A_171 = tpu.memref_slice %arg6[%add3A_167, %dma_start3A_170] : memref<20480x128xf32, #tpu.memory_space<hbm>> -> memref<128x128xf32, #tpu.memory_space<hbm>>
    tpu.enqueue_dma source(%arg12 : memref<128x128xf32, #tpu.memory_space<vmem>>) target(%dma_start3A_171 : memref<128x128xf32, #tpu.memory_space<hbm>>) target_semaphore(%arg15 : memref<!tpu.dma_semaphore, #tpu.memory_space<semaphore_mem>>)
    %add3A_172 = arith.constant 512 : i32
    %add3A_173 = arith.addi %mul3A_2, %add3A_172 : i32
    %dma_wait3A_174 = arith.constant 0 : i32
    %dma_wait3A_175 = tpu.memref_slice %arg8[%add3A_173, %dma_wait3A_174] : memref<10240x128xf32, #tpu.memory_space<vmem_shared>> -> memref<128x128xf32, #tpu.memory_space<vmem_shared>>
    %dma_wait3A_176 = arith.constant 0 : i32
    %dma_wait3A_177 = tpu.memref_slice %arg8[%add3A_173, %dma_wait3A_176] : memref<10240x128xf32, #tpu.memory_space<vmem_shared>> -> memref<128x128xf32, #tpu.memory_space<vmem_shared>>
    tpu.wait_dma2 semaphore(%arg14 : memref<!tpu.dma_semaphore, #tpu.memory_space<semaphore_mem>>) src(%dma_wait3A_177 : memref<128x128xf32, #tpu.memory_space<vmem_shared>>) dst(%arg11 : memref<128x128xf32, #tpu.memory_space<vmem>>)
    %add3A_178 = arith.constant 512 : i32
    %add3A_179 = arith.addi %add3A_71, %add3A_178 : i32
    %dma_start3A_180 = arith.constant 0 : i32
    %dma_start3A_181 = tpu.memref_slice %arg6[%add3A_179, %dma_start3A_180] : memref<20480x128xf32, #tpu.memory_space<hbm>> -> memref<128x128xf32, #tpu.memory_space<hbm>>
    %dma_start3A_182 = arith.constant 0 : i32
    %dma_start3A_183 = tpu.memref_slice %arg6[%add3A_179, %dma_start3A_182] : memref<20480x128xf32, #tpu.memory_space<hbm>> -> memref<128x128xf32, #tpu.memory_space<hbm>>
    tpu.enqueue_dma source(%arg11 : memref<128x128xf32, #tpu.memory_space<vmem>>) target(%dma_start3A_183 : memref<128x128xf32, #tpu.memory_space<hbm>>) target_semaphore(%arg14 : memref<!tpu.dma_semaphore, #tpu.memory_space<semaphore_mem>>)
    %add3A_184 = arith.constant 384 : i32
    %add3A_185 = arith.addi %add3A_71, %add3A_184 : i32
    %dma_wait3A_186 = arith.constant 0 : i32
    %dma_wait3A_187 = tpu.memref_slice %arg6[%add3A_185, %dma_wait3A_186] : memref<20480x128xf32, #tpu.memory_space<hbm>> -> memref<128x128xf32, #tpu.memory_space<hbm>>
    %dma_wait3A_188 = arith.constant 0 : i32
    %dma_wait3A_189 = tpu.memref_slice %arg6[%add3A_185, %dma_wait3A_188] : memref<20480x128xf32, #tpu.memory_space<hbm>> -> memref<128x128xf32, #tpu.memory_space<hbm>>
    tpu.wait_dma2 semaphore(%arg15 : memref<!tpu.dma_semaphore, #tpu.memory_space<semaphore_mem>>) src(%arg12 : memref<128x128xf32, #tpu.memory_space<vmem>>) dst(%dma_wait3A_189 : memref<128x128xf32, #tpu.memory_space<hbm>>)
    %add3A_190 = arith.constant 512 : i32
    %add3A_191 = arith.addi %add3A_71, %add3A_190 : i32
    %dma_wait3A_192 = arith.constant 0 : i32
    %dma_wait3A_193 = tpu.memref_slice %arg6[%add3A_191, %dma_wait3A_192] : memref<20480x128xf32, #tpu.memory_space<hbm>> -> memref<128x128xf32, #tpu.memory_space<hbm>>
    %dma_wait3A_194 = arith.constant 0 : i32
    %dma_wait3A_195 = tpu.memref_slice %arg6[%add3A_191, %dma_wait3A_194] : memref<20480x128xf32, #tpu.memory_space<hbm>> -> memref<128x128xf32, #tpu.memory_space<hbm>>
    tpu.wait_dma2 semaphore(%arg14 : memref<!tpu.dma_semaphore, #tpu.memory_space<semaphore_mem>>) src(%arg11 : memref<128x128xf32, #tpu.memory_space<vmem>>) dst(%dma_wait3A_195 : memref<128x128xf32, #tpu.memory_space<hbm>>)
    %mul3A_196 = arith.constant 10240 : i32
    %mul3A_197 = arith.muli %add3A, %mul3A_196 : i32
    %dma_wait3A_198 = tpu.memref_slice %arg7[%mul3A_197] : memref<327680xf32, #tpu.memory_space<hbm>> -> memref<10240xf32, #tpu.memory_space<hbm>>
    %dma_wait3A_199 = tpu.memref_slice %arg7[%mul3A_197] : memref<327680xf32, #tpu.memory_space<hbm>> -> memref<10240xf32, #tpu.memory_space<hbm>>
    tpu.wait_dma2 semaphore(%arg16 : memref<!tpu.dma_semaphore, #tpu.memory_space<semaphore_mem>>) src(%arg13 : memref<10240xf32, #tpu.memory_space<vmem>>) dst(%dma_wait3A_199 : memref<10240xf32, #tpu.memory_space<hbm>>)
    return
  }
}

module attributes {stable_mosaic.version = 14 : i64} {
  func.func @_mlp_body(%arg0: i32, %arg1: memref<1000x1xi32, #tpu.memory_space<vmem>>, %arg2: memref<1000x128xf32, #tpu.memory_space<vmem>>, %arg3: memref<1000x128xf32, #tpu.memory_space<vmem>>, %arg4: memref<1000x128xf32, #tpu.memory_space<vmem>>, %arg5: memref<1000x32xf32, #tpu.memory_space<vmem>>, %arg6: memref<64x128xf32, #tpu.memory_space<vmem>>, %arg7: memref<128x128xf32, #tpu.memory_space<vmem>>, %arg8: memref<128x128xf32, #tpu.memory_space<vmem>>, %arg9: memref<128x128xf32, #tpu.memory_space<vmem>>, %arg10: memref<1x128xf32, #tpu.memory_space<vmem>>, %arg11: memref<128x128xf32, #tpu.memory_space<vmem>>, %arg12: memref<1x128xf32, #tpu.memory_space<vmem>>, %arg13: memref<128x128xf32, #tpu.memory_space<vmem>>, %arg14: memref<1x128xf32, #tpu.memory_space<vmem>>, %arg15: memref<1000x128xf32, #tpu.memory_space<vmem>>) attributes {dimension_semantics = [#tpu.dimension_semantics<arbitrary>], iteration_bounds = array<i64: 10>, scalar_prefetch = 0 : i64, scratch_operands = 0 : i64, tpu.core_type = #tpu.core_type<tc>, window_params = [{transform_indices = @transform_0, window_bounds = array<i64: 1000, 1>}, {transform_indices = @transform_1, window_bounds = array<i64: 1000, 128>}, {transform_indices = @transform_2, window_bounds = array<i64: 1000, 128>}, {transform_indices = @transform_3, window_bounds = array<i64: 1000, 128>}, {transform_indices = @transform_4, window_bounds = array<i64: 1000, 32>}, {pipeline_mode = #tpu.pipeline_mode<synchronous>, transform_indices = @transform_5, window_bounds = array<i64: 64, 128>}, {pipeline_mode = #tpu.pipeline_mode<synchronous>, transform_indices = @transform_6, window_bounds = array<i64: 128, 128>}, {pipeline_mode = #tpu.pipeline_mode<synchronous>, transform_indices = @transform_7, window_bounds = array<i64: 128, 128>}, {pipeline_mode = #tpu.pipeline_mode<synchronous>, transform_indices = @transform_8, window_bounds = array<i64: 128, 128>}, {pipeline_mode = #tpu.pipeline_mode<synchronous>, transform_indices = @transform_9, window_bounds = array<i64: 1, 128>}, {pipeline_mode = #tpu.pipeline_mode<synchronous>, transform_indices = @transform_10, window_bounds = array<i64: 128, 128>}, {pipeline_mode = #tpu.pipeline_mode<synchronous>, transform_indices = @transform_11, window_bounds = array<i64: 1, 128>}, {pipeline_mode = #tpu.pipeline_mode<synchronous>, transform_indices = @transform_12, window_bounds = array<i64: 128, 128>}, {pipeline_mode = #tpu.pipeline_mode<synchronous>, transform_indices = @transform_13, window_bounds = array<i64: 1, 128>}, {transform_indices = @transform_14, window_bounds = array<i64: 1000, 128>}]} {
    %get3A = arith.constant 0 : index
    %get3A_0 = arith.constant 0 : index
    %get3A_1 = vector.load %arg5[%get3A, %get3A_0] : memref<1000x32xf32, #tpu.memory_space<vmem>>, vector<1000x32xf32>
    %reduce_sum3A = arith.constant dense<0.000000e+00> : vector<1000xf32>
    %reduce_sum3A_2 = vector.multi_reduction <add>, %get3A_1, %reduce_sum3A [1] : vector<1000x32xf32> to vector<1000xf32>
    %broadcast_in_dim3A = vector.shape_cast %reduce_sum3A_2 : vector<1000xf32> to vector<1000x1xf32>
    %get3A_3 = arith.constant 0 : index
    %get3A_4 = arith.constant 0 : index
    %get3A_5 = vector.load %arg3[%get3A_3, %get3A_4] : memref<1000x128xf32, #tpu.memory_space<vmem>>, vector<1000x128xf32>
    %get3A_6 = arith.constant 0 : index
    %get3A_7 = arith.constant 0 : index
    %get3A_8 = vector.load %arg4[%get3A_6, %get3A_7] : memref<1000x128xf32, #tpu.memory_space<vmem>>, vector<1000x128xf32>
    %add3A = arith.addf %get3A_5, %get3A_8 : vector<1000x128xf32>
    %max3A = arith.constant 1.000000e+00 : f32
    %max3A_9 = vector.broadcast %max3A : f32 to vector<1000x1xf32>
    %max3A_10 = arith.maximumf %broadcast_in_dim3A, %max3A_9 : vector<1000x1xf32>
    %div3A = vector.broadcast %max3A_10 : vector<1000x1xf32> to vector<1000x128xf32>
    %div3A_11 = arith.divf %add3A, %div3A : vector<1000x128xf32>
    %get3A_12 = arith.constant 0 : index
    %get3A_13 = arith.constant 0 : index
    %get3A_14 = vector.load %arg1[%get3A_12, %get3A_13] : memref<1000x1xi32, #tpu.memory_space<vmem>>, vector<1000x1xi32>
    %iota3A = tpu.iota {dimensions = array<i32: 1>} : vector<1x64xi32>
    %eq3A = vector.broadcast %get3A_14 : vector<1000x1xi32> to vector<1000x64xi32>
    %eq3A_15 = vector.broadcast %iota3A : vector<1x64xi32> to vector<1000x64xi32>
    %eq3A_16 = arith.cmpi eq, %eq3A, %eq3A_15 : vector<1000x64xi32>
    %convert_element_type3A = arith.extui %eq3A_16 : vector<1000x64xi1> to vector<1000x64xi32>
    %convert_element_type3A_17 = arith.sitofp %convert_element_type3A : vector<1000x64xi32> to vector<1000x64xf32>
    %get3A_18 = arith.constant 0 : index
    %get3A_19 = arith.constant 0 : index
    %get3A_20 = vector.load %arg6[%get3A_18, %get3A_19] : memref<64x128xf32, #tpu.memory_space<vmem>>, vector<64x128xf32>
    %get3A_21 = arith.constant 0 : index
    %get3A_22 = arith.constant 0 : index
    %get3A_23 = vector.load %arg9[%get3A_21, %get3A_22] : memref<128x128xf32, #tpu.memory_space<vmem>>, vector<128x128xf32>
    %dot_general3A = arith.constant dense<0.000000e+00> : vector<64x128xf32>
    %dot_general3A_24 = tpu.matmul %get3A_20, %get3A_23, %dot_general3A {dimension_numbers = #tpu.dot_dimension_numbers<[1], [1], [0], [0], [0, 0, 1, 0], [], []>, transpose_lhs_hint = false} : vector<64x128xf32>, vector<128x128xf32>, vector<64x128xf32> -> vector<64x128xf32>
    %get3A_25 = arith.constant 0 : index
    %get3A_26 = arith.constant 0 : index
    %get3A_27 = vector.load %arg2[%get3A_25, %get3A_26] : memref<1000x128xf32, #tpu.memory_space<vmem>>, vector<1000x128xf32>
    %get3A_28 = arith.constant 0 : index
    %get3A_29 = arith.constant 0 : index
    %get3A_30 = vector.load %arg7[%get3A_28, %get3A_29] : memref<128x128xf32, #tpu.memory_space<vmem>>, vector<128x128xf32>
    %dot_general3A_31 = arith.constant dense<0.000000e+00> : vector<1000x128xf32>
    %dot_general3A_32 = tpu.matmul %get3A_27, %get3A_30, %dot_general3A_31 {dimension_numbers = #tpu.dot_dimension_numbers<[1], [1], [0], [0], [0, 0, 1, 0], [], []>, transpose_lhs_hint = false} : vector<1000x128xf32>, vector<128x128xf32>, vector<1000x128xf32> -> vector<1000x128xf32>
    %get3A_33 = arith.constant 0 : index
    %get3A_34 = arith.constant 0 : index
    %get3A_35 = vector.load %arg8[%get3A_33, %get3A_34] : memref<128x128xf32, #tpu.memory_space<vmem>>, vector<128x128xf32>
    %dot_general3A_36 = arith.constant dense<0.000000e+00> : vector<1000x128xf32>
    %dot_general3A_37 = tpu.matmul %div3A_11, %get3A_35, %dot_general3A_36 {dimension_numbers = #tpu.dot_dimension_numbers<[1], [1], [0], [0], [0, 0, 1, 0], [], []>, transpose_lhs_hint = false} : vector<1000x128xf32>, vector<128x128xf32>, vector<1000x128xf32> -> vector<1000x128xf32>
    %add3A_38 = arith.addf %dot_general3A_32, %dot_general3A_37 : vector<1000x128xf32>
    %dot_general3A_39 = arith.constant dense<0.000000e+00> : vector<1000x128xf32>
    %dot_general3A_40 = tpu.matmul %convert_element_type3A_17, %dot_general3A_24, %dot_general3A_39 {dimension_numbers = #tpu.dot_dimension_numbers<[1], [0], [0], [1], [0, 0, 1, 1], [], []>, transpose_lhs_hint = false} : vector<1000x64xf32>, vector<64x128xf32>, vector<1000x128xf32> -> vector<1000x128xf32>
    %add3A_41 = arith.addf %add3A_38, %dot_general3A_40 : vector<1000x128xf32>
    %get3A_42 = arith.constant 0 : index
    %get3A_43 = arith.constant 0 : index
    %get3A_44 = vector.load %arg10[%get3A_42, %get3A_43] : memref<1x128xf32, #tpu.memory_space<vmem>>, vector<1x128xf32>
    %add3A_45 = vector.broadcast %get3A_44 : vector<1x128xf32> to vector<1000x128xf32>
    %add3A_46 = arith.addf %add3A_41, %add3A_45 : vector<1000x128xf32>
    %max3A_47 = arith.constant 0.000000e+00 : f32
    %max3A_48 = vector.broadcast %max3A_47 : f32 to vector<1000x128xf32>
    %max3A_49 = arith.maximumf %add3A_46, %max3A_48 : vector<1000x128xf32>
    %get3A_50 = arith.constant 0 : index
    %get3A_51 = arith.constant 0 : index
    %get3A_52 = vector.load %arg11[%get3A_50, %get3A_51] : memref<128x128xf32, #tpu.memory_space<vmem>>, vector<128x128xf32>
    %dot_general3A_53 = arith.constant dense<0.000000e+00> : vector<1000x128xf32>
    %dot_general3A_54 = tpu.matmul %max3A_49, %get3A_52, %dot_general3A_53 {dimension_numbers = #tpu.dot_dimension_numbers<[1], [1], [0], [0], [0, 0, 1, 0], [], []>, transpose_lhs_hint = false} : vector<1000x128xf32>, vector<128x128xf32>, vector<1000x128xf32> -> vector<1000x128xf32>
    %get3A_55 = arith.constant 0 : index
    %get3A_56 = arith.constant 0 : index
    %get3A_57 = vector.load %arg12[%get3A_55, %get3A_56] : memref<1x128xf32, #tpu.memory_space<vmem>>, vector<1x128xf32>
    %add3A_58 = vector.broadcast %get3A_57 : vector<1x128xf32> to vector<1000x128xf32>
    %add3A_59 = arith.addf %dot_general3A_54, %add3A_58 : vector<1000x128xf32>
    %max3A_60 = arith.constant 0.000000e+00 : f32
    %max3A_61 = vector.broadcast %max3A_60 : f32 to vector<1000x128xf32>
    %max3A_62 = arith.maximumf %add3A_59, %max3A_61 : vector<1000x128xf32>
    %get3A_63 = arith.constant 0 : index
    %get3A_64 = arith.constant 0 : index
    %get3A_65 = vector.load %arg13[%get3A_63, %get3A_64] : memref<128x128xf32, #tpu.memory_space<vmem>>, vector<128x128xf32>
    %dot_general3A_66 = arith.constant dense<0.000000e+00> : vector<1000x128xf32>
    %dot_general3A_67 = tpu.matmul %max3A_62, %get3A_65, %dot_general3A_66 {dimension_numbers = #tpu.dot_dimension_numbers<[1], [1], [0], [0], [0, 0, 1, 0], [], []>, transpose_lhs_hint = false} : vector<1000x128xf32>, vector<128x128xf32>, vector<1000x128xf32> -> vector<1000x128xf32>
    %get3A_68 = arith.constant 0 : index
    %get3A_69 = arith.constant 0 : index
    %get3A_70 = vector.load %arg14[%get3A_68, %get3A_69] : memref<1x128xf32, #tpu.memory_space<vmem>>, vector<1x128xf32>
    %add3A_71 = vector.broadcast %get3A_70 : vector<1x128xf32> to vector<1000x128xf32>
    %add3A_72 = arith.addf %dot_general3A_67, %add3A_71 : vector<1000x128xf32>
    %max3A_73 = arith.constant 0.000000e+00 : f32
    %max3A_74 = vector.broadcast %max3A_73 : f32 to vector<1000x128xf32>
    %max3A_75 = arith.maximumf %add3A_72, %max3A_74 : vector<1000x128xf32>
    %swap3A = arith.constant 0 : index
    %swap3A_76 = arith.constant 0 : index
    %swap3A_77 = vector.load %arg15[%swap3A, %swap3A_76] : memref<1000x128xf32, #tpu.memory_space<vmem>>, vector<1000x128xf32>
    tpu.vector_store %arg15[%swap3A, %swap3A_76], %max3A_75 {strides = array<i32>} : memref<1000x128xf32, #tpu.memory_space<vmem>>, vector<1000x128xf32>,
    return
  }
  func.func @transform_0(%arg0: i32) -> (i32, i32) {
    %c0_i32 = arith.constant 0 : i32
    %c0_i32_0 = arith.constant 0 : i32
    return %arg0, %c0_i32 : i32, i32
  }
  func.func @transform_1(%arg0: i32) -> (i32, i32) {
    %c0_i32 = arith.constant 0 : i32
    %c0_i32_0 = arith.constant 0 : i32
    return %arg0, %c0_i32 : i32, i32
  }
  func.func @transform_2(%arg0: i32) -> (i32, i32) {
    %c0_i32 = arith.constant 0 : i32
    %c0_i32_0 = arith.constant 0 : i32
    return %arg0, %c0_i32 : i32, i32
  }
  func.func @transform_3(%arg0: i32) -> (i32, i32) {
    %c0_i32 = arith.constant 0 : i32
    %c0_i32_0 = arith.constant 0 : i32
    return %arg0, %c0_i32 : i32, i32
  }
  func.func @transform_4(%arg0: i32) -> (i32, i32) {
    %c0_i32 = arith.constant 0 : i32
    %c0_i32_0 = arith.constant 0 : i32
    return %arg0, %c0_i32 : i32, i32
  }
  func.func @transform_5(%arg0: i32) -> (i32, i32) {
    %c0_i32 = arith.constant 0 : i32
    %c0_i32_0 = arith.constant 0 : i32
    %c0_i32_1 = arith.constant 0 : i32
    return %c0_i32, %c0_i32_0 : i32, i32
  }
  func.func @transform_6(%arg0: i32) -> (i32, i32) {
    %c0_i32 = arith.constant 0 : i32
    %c0_i32_0 = arith.constant 0 : i32
    %c0_i32_1 = arith.constant 0 : i32
    return %c0_i32, %c0_i32_0 : i32, i32
  }
  func.func @transform_7(%arg0: i32) -> (i32, i32) {
    %c0_i32 = arith.constant 0 : i32
    %c0_i32_0 = arith.constant 0 : i32
    %c0_i32_1 = arith.constant 0 : i32
    return %c0_i32, %c0_i32_0 : i32, i32
  }
  func.func @transform_8(%arg0: i32) -> (i32, i32) {
    %c0_i32 = arith.constant 0 : i32
    %c0_i32_0 = arith.constant 0 : i32
    %c0_i32_1 = arith.constant 0 : i32
    return %c0_i32, %c0_i32_0 : i32, i32
  }
  func.func @transform_9(%arg0: i32) -> (i32, i32) {
    %c0_i32 = arith.constant 0 : i32
    %c0_i32_0 = arith.constant 0 : i32
    %c0_i32_1 = arith.constant 0 : i32
    return %c0_i32, %c0_i32_0 : i32, i32
  }
  func.func @transform_10(%arg0: i32) -> (i32, i32) {
    %c0_i32 = arith.constant 0 : i32
    %c0_i32_0 = arith.constant 0 : i32
    %c0_i32_1 = arith.constant 0 : i32
    return %c0_i32, %c0_i32_0 : i32, i32
  }
  func.func @transform_11(%arg0: i32) -> (i32, i32) {
    %c0_i32 = arith.constant 0 : i32
    %c0_i32_0 = arith.constant 0 : i32
    %c0_i32_1 = arith.constant 0 : i32
    return %c0_i32, %c0_i32_0 : i32, i32
  }
  func.func @transform_12(%arg0: i32) -> (i32, i32) {
    %c0_i32 = arith.constant 0 : i32
    %c0_i32_0 = arith.constant 0 : i32
    %c0_i32_1 = arith.constant 0 : i32
    return %c0_i32, %c0_i32_0 : i32, i32
  }
  func.func @transform_13(%arg0: i32) -> (i32, i32) {
    %c0_i32 = arith.constant 0 : i32
    %c0_i32_0 = arith.constant 0 : i32
    %c0_i32_1 = arith.constant 0 : i32
    return %c0_i32, %c0_i32_0 : i32, i32
  }
  func.func @transform_14(%arg0: i32) -> (i32, i32) {
    %c0_i32 = arith.constant 0 : i32
    %c0_i32_0 = arith.constant 0 : i32
    return %arg0, %c0_i32 : i32, i32
  }
}

</mosaic_0001>

<sc_bundles>
// kernel: kernel.4.cloned.1.call-start
scs
__scs_entry_jumppad:
0x0: {  	(pc) =	sbr.rel $0x88, $3  }
0x1: {  	(tag) =	ssettag $0x0;
	lr =	simm.s32 $0x1  }
0x2: {  	[smem:$0x3F96] =	sst lr;
	_ =	strace $0xD0000000  }
0x3: {  	_ = 	snop  }
0x4: {  	_ = 	snop  }
0x5: {  	_ = 	snop  }
0x6: {  	_ = 	snop  }
0x7: {  	_ = 	snop  }
__scs_overlays_trampoline_lowered:
0x8: {  	[smem:$0x3FA5] =	sst s0  }
0x9: {  	[smem:$0x3FA6] =	sst s1  }
0xa: {  	[smem:$0x3FA7] =	sst s2  }
0xb: {  	[smem:$0x3FA8] =	sst s3  }
0xc: {  	[smem:$0x3FA9] =	sst s4  }
0xd: {  	[smem:$0x3FAA] =	sst s5  }
0xe: {  	[smem:$0x3FAB] =	sst s6  }
0xf: {  	[smem:$0x3FAC] =	sst s7  }
0x10: {  	[smem:$0x3FAD] =	sst s8  }
0x11: {  	[smem:$0x3FAE] =	sst s9;
	s0 =	simm.s32 @!p0 $0x0  }
0x12: {  	s1 =	sld [smem:$0x3F94];
	s0 =	simm.s32 @p0 $0x1  }
0x13: {  	[smem:$0x3FAF] =	sst s0;
	s0 =	simm.s32 @!p1 $0x0  }
0x14: {  	s2 =	sld [smem:$0x3F93];
	s0 =	simm.s32 @p1 $0x1  }
0x15: {  	[smem:$0x3FB0] =	sst s0;
	s0 =	simm.s32 @!p2 $0x0  }
0x16: {  	s3 =	sld [smem:$0x3FDB];
	s0 =	simm.s32 @p2 $0x1  }
0x17: {  	s4 =	simm.s32 $0x1BF5;
	[smem:$0x3FB2] =	sst s0  }
0x18: {  	s0 =	sld [smem:$0x3F95];
	_ =	swait.ge [sflag:s4], $0x0  }
0x19: {  	s7 =	sld [smem:$0x3F96]  }
0x1a: {  	s8 =	sadd.s32 $0xFFFFE003, lr  }
0x1b: {  	s9 =	sadd.s32 $0xFFFFFEF7, lr;
	s5 =	simm.s32 $0xFFFFFFFF;
	p2 =	slt.u32 s8, $0xFFFFF086  }
0x1c: {  	p1 =	slt.u32 s9, $0xF7A;
	s5 =	simm.s32 @!p2 $0x0  }
0x1d: {  	s5 =	simm.s32 @p1 $0x1;
	p0 =	seq.s32 s7, s2  }
0x1e: {  	s7 =	smul.u32 @!p0 $0xF7A, s2;
	p2 =	seq.s32 @!p0 s5, $0x0  }
0x1f: {  	s9 =	smul.u32 $0xF7A, s1;
	s8 =	simm.s32 @!p0 $0x1BF5;
	p2 =	por !p2, p0  }
0x20: {  	[sflag:s8] =	ssyncset.s32 @!p0 $0xFFFFF086;
	s6 =	sadd.s32 @!p0 s3, s7;
	s7 =	simm.s32 @!p0 $0x108  }
0x21: {  	s3 =	sadd.s32 s3, s9;
	s6 =	sadd.s32 @!p0 $0x88, s6;
	s7 =	simm.s32 @p2 $0x1082  }
0x22: {  	[simem:s7], [sflag:s8] =	dma.local @!p0 [hbm:s6], $0xF7A  }
0x23: {  	s9 =	sor.u32 $0xD0000000, s2;
	s6 =	simm.s32 $0x108;
	_ =	swait.ge @!p0 [sflag:s8], $0x0  }
0x24: {  	s3 =	sadd.s32 $0x88, s3;
	s6 =	simm.s32 @!p1 $0x1082;
	[sflag:s4] =	ssyncset.s32 $0xFFFFF086  }
0x25: {  	[simem:s6], [sflag:s4] =	dma.local [hbm:s3], $0xF7A  }
0x26: {  	[smem:$0x3F96] =	sst s1;
	(tag) =	ssettag s2;
	_ =	strace s9  }
0x27: {  	s1 =	sld [smem:$0x3FA6]  }
0x28: {  	s2 =	sld [smem:$0x3FA7]  }
0x29: {  	s4 =	sld [smem:$0x3FA9]  }
0x2a: {  	p0 =	seq.s32 s5, $0x0;
	s5 =	sld [smem:$0x3FAA]  }
0x2b: {  	s6 =	sld [smem:$0x3FAB]  }
0x2c: {  	s7 =	sld [smem:$0x3FAC]  }
0x2d: {  	s3 =	simm.s32 $0x108;
	s8 =	sld [smem:$0x3FAD]  }
0x2e: {  	s3 =	simm.s32 @!p0 $0x1082;
	s9 =	sld [smem:$0x3FAE]  }
0x2f: {  	lr =	sadd.s32 s0, s3;
	s0 =	sld [smem:$0x3FA5]  }
0x30: {  	s3 =	sld [smem:$0x3FA8]  }
0x31: {  	[smem:$0x3FB1] =	sst s10  }
0x32: {  	s10 =	sld [smem:$0x3FAF];
	_ =	sdelay $0x3  }
0x33: {  	p0 =	seq.s32 s10, $0x1;
	s10 =	sld [smem:$0x3FB1];
	_ =	sdelay $0x3  }
0x34: {  	[smem:$0x3FB1] =	sst s10  }
0x35: {  	s10 =	sld [smem:$0x3FB0];
	_ =	sdelay $0x3  }
0x36: {  	p1 =	seq.s32 s10, $0x1;
	s10 =	sld [smem:$0x3FB1];
	_ =	sdelay $0x3  }
0x37: {  	[smem:$0x3FB1] =	sst s10  }
0x38: {  	s10 =	sld [smem:$0x3FB2]  }
0x39: {  	_ = 	snop;
	(pc) =	sbr.ind lr, $3  }
0x3a: {  	_ = 	snop  }
0x3b: {  	_ = 	snop  }
0x3c: {  	p2 =	seq.s32 s10, $0x1;
	s10 =	sld [smem:$0x3FB1]  }
0x3d: {  	_ =	shalt  }
0x3e: {  	_ =	shalt  }
0x3f: {  	_ =	shalt  }
0x40: {  	_ =	shalt  }
0x41: {  	_ =	shalt  }
0x42: {  	_ =	shalt  }
0x43: {  	_ =	shalt  }
0x44: {  	_ =	shalt  }
0x45: {  	_ =	shalt  }
0x46: {  	_ =	shalt  }
0x47: {  	_ =	shalt  }
0x48: {  	_ =	shalt  }
0x49: {  	_ =	shalt  }
0x4a: {  	_ =	shalt  }
0x4b: {  	_ =	shalt  }
0x4c: {  	_ =	shalt  }
0x4d: {  	_ =	shalt  }
0x4e: {  	_ =	shalt  }
0x4f: {  	_ =	shalt  }
0x50: {  	_ =	shalt  }
0x51: {  	_ =	shalt  }
0x52: {  	_ =	shalt  }
0x53: {  	_ =	shalt  }
0x54: {  	_ =	shalt  }
0x55: {  	_ =	shalt  }
0x56: {  	_ =	shalt  }
0x57: {  	_ =	shalt  }
0x58: {  	_ =	shalt  }
0x59: {  	_ =	shalt  }
0x5a: {  	_ =	shalt  }
0x5b: {  	_ =	shalt  }
0x5c: {  	_ =	shalt  }
0x5d: {  	_ =	shalt  }
0x5e: {  	_ =	shalt  }
0x5f: {  	_ =	shalt  }
0x60: {  	_ =	shalt  }
0x61: {  	_ =	shalt  }
0x62: {  	_ =	shalt  }
0x63: {  	_ =	shalt  }
0x64: {  	_ =	shalt  }
0x65: {  	_ =	shalt  }
0x66: {  	_ =	shalt  }
0x67: {  	_ =	shalt  }
0x68: {  	_ =	shalt  }
0x69: {  	_ =	shalt  }
0x6a: {  	_ =	shalt  }
0x6b: {  	_ =	shalt  }
0x6c: {  	_ =	shalt  }
0x6d: {  	_ =	shalt  }
0x6e: {  	_ =	shalt  }
0x6f: {  	_ =	shalt  }
0x70: {  	_ =	shalt  }
0x71: {  	_ =	shalt  }
0x72: {  	_ =	shalt  }
0x73: {  	_ =	shalt  }
0x74: {  	_ =	shalt  }
0x75: {  	_ =	shalt  }
0x76: {  	_ =	shalt  }
0x77: {  	_ =	shalt  }
0x78: {  	_ =	shalt  }
0x79: {  	_ =	shalt  }
0x7a: {  	_ =	shalt  }
0x7b: {  	_ =	shalt  }
0x7c: {  	_ =	shalt  }
0x7d: {  	_ =	shalt  }
0x7e: {  	_ =	shalt  }
0x7f: {  	_ =	shalt  }
0x80: {  	_ =	shalt  }
0x81: {  	_ =	shalt  }
0x82: {  	_ =	shalt  }
0x83: {  	_ =	shalt  }
0x84: {  	_ =	shalt  }
0x85: {  	_ =	shalt  }
0x86: {  	_ =	shalt  }
0x87: {  	_ =	shalt  }
.Lfunc_end0:
.L_simem_size_0:
called_computation_lowered:
.L_overlay_start_0:
0x88: {  	s2 =	sld [smem:$0x3FD9]  }
0x89: {  	s3 =	sld [smem:$0x3FFE];
	_ =	sdelay $0x1  }
0x8a: {  	s1 =	srdreg.scid  }
0x8b: {  	s0 =	sand.u32 $0x1, s1  }
0x8c: {  	s17 =	sshll.u32 s0, $0xA;
	s2 =	sadd.s32 s3, s2  }
0x8d: {  	s2 =	sadd.s32 s2, s17  }
0x8e: {  	[smem:$0x3FBD] =	sst s2  }
0x8f: {  	_ = 	snop  }
0x90: {  	s2 =	sld [smem:$0x3FC7]  }
0x91: {  	s18 =	sld [smem:$0x3FD0];
	(tm) =	ssettm $0x1  }
0x92: {  	s4 =	sld [smem:$0x3FFB];
	_ =	sdelay $0x3  }
0x93: {  	_ =	strace s4  }
0x94: {  	s4 =	sld [smem:$0x3FFC];
	_ =	sdelay $0x3  }
0x95: {  	_ =	strace s4  }
0x96: {  	s4 =	sld [smem:$0x3FFD];
	_ =	sdelay $0x3  }
0x97: {  	_ =	strace s4  }
0x98: {  	_ =	strace $0x8FFFFFFF  }
0x99: {  	s19 =	sld [smem:$0x3FDB];
	_ =	sdelay $0x1  }
0x9a: {  	s5 =	simm.s32 $_scs_section_size  }
0x9b: {  	s6 =	simm.s32 $_size__tile_overlayer_lowered;
	s7 =	simm.s32 $_tile_overlayer_lowered  }
0x9c: {  	s22 =	simm.s32 $0x1BFF;
	s21 =	sshll.u32 s7, $0x1;
	s4 =	sadd.s32 s5, s19  }
0x9d: {  	s8 =	simm.s32 $0x0;
	s20 =	sshll.u32 s6, $0x1;
	s6 =	sadd.s32 s21, s4  }
0x9e: {  	[timem:s8], [sflag:s22] =	dma.local [hbm:s6], s20  }
0x9f: {  	_ =	swait.ge [sflag:s22], s20  }
0xa0: {  	s5 =	ssub.s32 $0x0, s20;
	[sflag:s22] =	ssyncset.done $0x0  }
0xa1: {  	[sflag:s22] =	ssyncadd.s32 s5;
	_ =	sdelay $0x1  }
0xa2: {  	s23 =	simm.s32 $0x1B8B  }
0xa3: {  	_ =	swait.ge [sflag:s23], $0x1  }
0xa4: {  	[sflag:s23] =	ssyncset.done $0x0  }
0xa5: {  	s25 =	simm.s32 $0x1B8E;
	s24 =	sld [smem:$0x3FFE];
	[sflag:s23] =	ssyncadd.s32 $0xFFFFFFFF  }
0xa6: {  	s26 =	simm.s32 $execute0_lowered;
	[smem:$0x3FD2] =	sst s25  }
0xa7: {  	s6 =	sshll.u32 s26, $0x1;
	_ =	strace $0x80000046;
	[dreg:$0x1] =	wrdreg $0xFFFFFFFF  }
0xa8: {  	s28 =	simm.s32 $_size_execute0_lowered;
	s4 =	sadd.s32 s4, s6;
	[dreg:$0x0] =	wrdreg $0x0  }
0xa9: {  	s6 =	sshll.u32 s28, $0x1;
	[dreg:$0x2] =	wrdreg s4  }
0xaa: {  	[dreg:$0x3] =	wrdreg s6  }
0xab: {  	[dreg:$0x4] =	wrdreg $0xC0  }
0xac: {  	_ =	task [dreg:s8], $0x5FFFF  }
0xad: {  	[dreg:$0x1] =	wrdreg $0xFFFFFFFF  }
0xae: {  	[dreg:$0x0] =	wrdreg $0x60  }
0xaf: {  	[dreg:$0x2] =	wrdreg s2  }
0xb0: {  	[dreg:$0x3] =	wrdreg s24  }
0xb1: {  	[dreg:$0x4] =	wrdreg s18  }
0xb2: {  	[dreg:$0x5] =	wrdreg $0x0  }
0xb3: {  	[dreg:$0x6] =	wrdreg $0x9  }
0xb4: {  	_ =	task.clear_ibuf [dreg:s8], $0x7FFFF;
	_ =	strace $0x90000046  }
0xb5: {  	s29 =	simm.s32 $0x9;
	_ =	strace $0x80000048  }
0xb6: {  	_ =	swait.ge [sflag:s29], $0x1  }
0xb7: {  	[sflag:s29] =	ssyncadd.s32 $0xFFFFFFFF  }
0xb8: {  	_ =	strace $0x90000048  }
0xb9: {  	_ =	sfence  }
0xba: {  	s30 =	sld [smem:$0x0];
	_ =	sdelay $0x2  }
0xbb: {  	s31 =	sshll.u32 s1, $0xD;
	s1 =	sshrl.u32 s1, $0x2  }
0xbc: {  	s3 =	sand.u32 $0x4000, s31;
	s1 =	sadd.s32 s1, s30  }
0xbd: {  	s0 =	sor.u32 s3, s0;
	s1 =	sshll.u32 s1, $0x11  }
0xbe: {  	s0 =	sor.u32 s1, s0  }
0xbf: {  	s0 =	sadd.s32 $0x8F2B, s0  }
0xc0: {  	[sflag:s0] =	ssyncadd.remote.s32 $0x1  }
0xc1: {  	_ =	sfence.sel $0xFFFF  }
0xc2: {  	[dreg:$0x0] =	wrdreg $0xFFFFFFFF;
	(pc) =	sbr.abs _section_cstart, $3  }
0xc3: {  	[dreg:$0x1] =	wrdreg $0xFFFFFFFF  }
0xc4: {  	_ =	task.clear_ibuf [dreg:s8], $0x2FFFF;
	_ =	strace $0x9FFFFFFF  }
0xc5: {  	(tm) =	ssettm $0x7FFFFFFF  }
tec
execute0_lowered:
.L_overlay_start_1:
0x0: {  	(tag) =	ssettag $0x1  }
0x1: {  	s0 =	rddreg [dreg:$0x0]  }
0x2: {  	s1 =	rddreg [dreg:$0x1]  }
0x3: {  	s4 =	rddreg [dreg:$0x2]  }
0x4: {  	s2 =	rddreg [dreg:$0x3];
	s5 =	srdreg.scid  }
0x5: {  	s15 =	stileid.u32;
	s3 =	simm.s32 $0x0;
	s28 =	simm.s32 $0x3  }
0x6: {  	s29 =	simm.s32 $0x14000;
	s30 =	simm.s32 $0x14080;
	s31 =	simm.s32 $0x18100  }
0x7: {  	s5 =	sand.u32 $0x1, s5;
	s6 =	smul.u32 $0x280, s15;
	[smem:$0x7FF] =	sst s3  }
0x8: {  	s11 =	sadd.s32 $0x2200, s1;
	s8 =	sadd.s32 $0xC000, s1;
	s13 =	smul.u32 $0x50000, s15  }
0x9: {  	s14 =	sadd.s32 $0x34000, s1;
	s18 =	sshll.u32 s15, $0x1;
	s23 =	sshll.u32 s15, $0x5  }
0xa: {  	s24 =	sshll.u32 s15, $0xC;
	_ =	strace $0x80000047;
	[dreg:$0x5] =	wrdreg s8  }
0xb: {  	p0 =	sgt.u32 s15, $0x1;
	s7 =	smul.u32 $0x2800, s5;
	[dreg:$0x6] =	wrdreg s14  }
0xc: {  	s16 =	ssub.s32 $0x2, s5;
	s21 =	sor.u32 s5, s18;
	s25 =	sshll.u32 s5, $0x4  }
0xd: {  	s26 =	sshll.u32 s5, $0xB;
	s17 =	sshrl.u32 s16, $0x1;
	s14 =	smul.u32 $0x500, s21  }
0xe: {  	s19 =	sshll.u32 s21, $0xB;
	s5 =	sor.u32 $0x20, s21;
	s6 =	sadd.s32 s6, s7  }
0xf: {  	s7 =	sshrl.u32 s13, $0x2;
	s12 =	ssub.s32 s16, s17;
	s13 =	sshll.u32 s21, $0x4  }
0x10: {  	s6 =	sshll.u32 s6, $0x4;
	s13 =	sadd.s32 s11, s13;
	s4 =	sadd.s32 s4, s14  }
0x11: {  	s1 =	sadd.s32 s6, s1;
	s6 =	sadd.s32 s7, s2;
	[dreg:$0x7] =	wrdreg s13  }
0x12: {  	s13 =	sadd.s32 s0, s19;
	[dreg:$0x9] =	wrdreg s4;
	s19 =	smax.u32 s12, $0x1  }
0x13: {  	s0 =	sadd.s32 s24, s0;
	s24 =	simm.s32 $0x4;
	s4 =	simm.s32 $0x0  }
0x14: {  	s7 =	sadd.s32 $0x4000, s6;
	s8 =	sadd.s32 $0x8000, s6;
	s9 =	sadd.s32 $0xC000, s6  }
0x15: {  	s10 =	sadd.s32 $0x10000, s6;
	[dreg:$0x8] =	wrdreg s13;
	s20 =	sadd.s32 $0x34600, s1  }
0x16: {  	s22 =	sadd.s32 $0x34E00, s1;
	s16 =	sadd.s32 $0x35600, s1;
	s17 =	sadd.s32 $0x35E00, s1  }
0x17: {  	s18 =	sadd.s32 $0x36600, s1;
	s1 =	sadd.s32 s23, s11;
	[dreg:$0xa] =	wrdreg s20  }
0x18: {  	s23 =	simm.s32 $0x14100;
	[dreg:$0xb] =	wrdreg s22;
	s1 =	sadd.s32 s25, s1  }
0x19: {  	s20 =	sadd.s32 s26, s0;
	s25 =	simm.s32 $0x1C100;
	s26 =	simm.s32 $0x1  }
0x1a: {  	v0 =	vimm.f32 $1.000000000e+00;
	s0 =	simm.s32 $0x80;
	s11 =	sadd.s32 $0x400, s1;
	s1 =	simm.s32 $0x2  }
.LBB2_1:
0x1b: {  	s12 =	rddreg [dreg:$0x5]  }
0x1c: {  	[tilespmem:s23], [sflag:$0x4] =	stream.linear.gather [hbm4b:s12+s3], $0x4000, $0x38;
	[tilespmem:$0x1E900] =	vst v63  }
0x1d: {  	_ =	swait.ge [sflag:s24], $0x4000  }
0x1e: {  	[sflag:s24] =	ssyncset.done $0x0  }
0x1f: {  	s15 =	rddreg [dreg:$0x6];
	[sflag:s24] =	ssyncadd.s32 $0xFFFFC000  }
0x20: {  	[tilespmem:s25], [sflag:$0x3] =	stream.linear.gather [hbm4b:s15+s3], $0x2800, $0x38;
	[tilespmem:$0x1E900] =	vst v63  }
0x21: {  	_ = 	snop  }
0x22: {  	[spmem:s6] =	stream.linear.scatter [tilespmem:s23], [sflag:$0x1], $0x4000, $0x38;
	[tilespmem:$0x1E900] =	vst v63  }
0x23: {  	_ = 	snop  }
0x24: {  	[spmem:s7] =	stream.linear.scatter [tilespmem:s23], [sflag:$0x1], $0x4000, $0x38;
	[tilespmem:$0x1E900] =	vst v63  }
0x25: {  	_ = 	snop  }
0x26: {  	[spmem:s8] =	stream.linear.scatter [tilespmem:s23], [sflag:$0x1], $0x4000, $0x38;
	[tilespmem:$0x1E900] =	vst v63  }
0x27: {  	_ = 	snop  }
0x28: {  	[spmem:s9] =	stream.linear.scatter [tilespmem:s23], [sflag:$0x1], $0x4000, $0x38;
	[tilespmem:$0x1E900] =	vst v63  }
0x29: {  	_ = 	snop  }
0x2a: {  	[spmem:s10] =	stream.linear.scatter [tilespmem:s23], [sflag:$0x1], $0x4000, $0x38;
	[tilespmem:$0x1E900] =	vst v63  }
0x2b: {  	_ =	swait.ge [sflag:s26], $0x4000  }
0x2c: {  	[sflag:s26] =	ssyncset.done $0x0  }
0x2d: {  	[sflag:s26] =	ssyncadd.s32 $0xFFFFC000  }
0x2e: {  	_ =	swait.ge [sflag:s26], $0x4000  }
0x2f: {  	[sflag:s26] =	ssyncset.done $0x0  }
0x30: {  	[sflag:s26] =	ssyncadd.s32 $0xFFFFC000  }
0x31: {  	_ =	swait.ge [sflag:s26], $0x4000  }
0x32: {  	[sflag:s26] =	ssyncset.done $0x0  }
0x33: {  	[sflag:s26] =	ssyncadd.s32 $0xFFFFC000  }
0x34: {  	_ =	swait.ge [sflag:s26], $0x4000  }
0x35: {  	[sflag:s26] =	ssyncset.done $0x0  }
0x36: {  	[sflag:s26] =	ssyncadd.s32 $0xFFFFC000  }
0x37: {  	_ =	swait.ge [sflag:s26], $0x4000  }
0x38: {  	[sflag:s26] =	ssyncset.done $0x0  }
0x39: {  	[sflag:s26] =	ssyncadd.s32 $0xFFFFC000  }
0x3a: {  	_ =	swait.ge [sflag:s28], $0x2800  }
0x3b: {  	[sflag:s28] =	ssyncset.done $0x0  }
0x3c: {  	[sflag:s28] =	ssyncadd.s32 $0xFFFFD800  }
0x3d: {  	[bflag:$0x0] =	sbarrier.arrive $0xFFFF  }
0x3e: {  	s21 =	rddreg [dreg:$0x7]  }
0x3f: {  	[tilespmem:s29], [sflag:$0x1] =	stream.linear.gather [hbm4b:s21+s3], $0x80, $0x38;
	[tilespmem:$0x1E900] =	vst v63  }
0x40: {  	s22 =	rddreg [dreg:$0x8]  }
0x41: {  	[tilespmem:s23], [sflag:$0x1] =	stream.linear.gather [hbm4b:s22+s3], $0x4000, $0x38;
	[tilespmem:$0x1E900] =	vst v63  }
0x42: {  	s12 =	simm.s32 $0x0;
	s21 =	smov.u32 s11;
	s22 =	smov.u32 s5  }
.LBB2_2:
0x43: {  	_ =	swait.ge [sflag:s26], $0x80  }
0x44: {  	[sflag:s26] =	ssyncset.done $0x0  }
0x45: {  	[sflag:s26] =	ssyncadd.s32 $0xFFFFFF80  }
0x46: {  	_ =	swait.ge [sflag:s26], $0x4000  }
0x47: {  	[sflag:s26] =	ssyncset.done $0x0  }
0x48: {  	s13 =	sadd.s32 $0xFFFFFE00, s21;
	s15 =	sadd.s32 s12, s20;
	[sflag:s26] =	ssyncadd.s32 $0xFFFFC000  }
0x49: {  	[tilespmem:s30], [sflag:$0x2] =	stream.linear.gather [hbm4b:s13+s3], $0x80, $0x38;
	[tilespmem:$0x1E900] =	vst v63  }
0x4a: {  	s13 =	sadd.s32 $0x10000, s15  }
0x4b: {  	[tilespmem:s31], [sflag:$0x2] =	stream.linear.gather [hbm4b:s13+s3], $0x4000, $0x38;
	[tilespmem:$0x1E900] =	vst v63  }
0x4c: {  	_ = 	snop  }
0x4d: {  	[spmem:s2] =	stream.indirect.scatter.add.f32 [tilespmem:s23], [sflag:$0x4], $0x80, s29, s0, $0xb8;
	[tilespmem:$0x1E900] =	vst v63  }
0x4e: {  	_ =	swait.ge [sflag:s24], $0x4000  }
0x4f: {  	[sflag:s24] =	ssyncset.done $0x0  }
0x50: {  	[sflag:s24] =	ssyncadd.s32 $0xFFFFC000  }
0x51: {  	v1 =	vld [tilespmem:$0x14000];
	_ =	sdelay $0x7  }
0x52: {  	[tilespmem:v1+s25+$0x0] =	vst.idx.add.f32.msk $0xffff, v0  }
0x53: {  	v1 =	vld [tilespmem:$0x14010];
	_ =	sdelay $0x7  }
0x54: {  	[tilespmem:v1+s25+$0x0] =	vst.idx.add.f32.msk $0xffff, v0  }
0x55: {  	v1 =	vld [tilespmem:$0x14020];
	_ =	sdelay $0x7  }
0x56: {  	[tilespmem:v1+s25+$0x0] =	vst.idx.add.f32.msk $0xffff, v0  }
0x57: {  	v1 =	vld [tilespmem:$0x14030];
	_ =	sdelay $0x7  }
0x58: {  	[tilespmem:v1+s25+$0x0] =	vst.idx.add.f32.msk $0xffff, v0  }
0x59: {  	v1 =	vld [tilespmem:$0x14040];
	_ =	sdelay $0x7  }
0x5a: {  	[tilespmem:v1+s25+$0x0] =	vst.idx.add.f32.msk $0xffff, v0  }
0x5b: {  	v1 =	vld [tilespmem:$0x14050];
	_ =	sdelay $0x7  }
0x5c: {  	[tilespmem:v1+s25+$0x0] =	vst.idx.add.f32.msk $0xffff, v0  }
0x5d: {  	v1 =	vld [tilespmem:$0x14060];
	_ =	sdelay $0x7  }
0x5e: {  	[tilespmem:v1+s25+$0x0] =	vst.idx.add.f32.msk $0xffff, v0  }
0x5f: {  	v1 =	vld [tilespmem:$0x14070];
	_ =	sdelay $0x7  }
0x60: {  	[tilespmem:v1+s25+$0x0] =	vst.idx.add.f32.msk $0xffff, v0  }
0x61: {  	_ =	swait.ge [sflag:s1], $0x80  }
0x62: {  	[sflag:s1] =	ssyncset.done $0x0  }
0x63: {  	[sflag:s1] =	ssyncadd.s32 $0xFFFFFF80  }
0x64: {  	_ =	swait.ge [sflag:s1], $0x4000  }
0x65: {  	p1 =	sgt.u32 s22, $0x9A3;
	[sflag:s1] =	ssyncset.done $0x0  }
0x66: {  	s14 =	simm.s32 @!p1 $0x14000;
	s13 =	simm.s32 @!p1 $0x0;
	[sflag:s1] =	ssyncadd.s32 $0xFFFFC000  }
0x67: {  	[tilespmem:s14], [sflag:$0x1] =	stream.linear.gather @!p1 [hbm4b:s21+s13], $0x80, $0x38;
	[tilespmem:$0x1E900] =	vst v63  }
0x68: {  	s14 =	sadd.s32 @!p1 s12, s20  }
0x69: {  	s15 =	simm.s32 @!p1 $0x14100;
	s14 =	sadd.s32 @!p1 $0x20000, s14  }
0x6a: {  	[tilespmem:s15], [sflag:$0x1] =	stream.linear.gather @!p1 [hbm4b:s14+s13], $0x4000, $0x38;
	[tilespmem:$0x1E900] =	vst v63  }
0x6b: {  	_ = 	snop  }
0x6c: {  	[spmem:s2] =	stream.indirect.scatter.add.f32 [tilespmem:s31], [sflag:$0x4], $0x80, s30, s0, $0xb8;
	[tilespmem:$0x1E900] =	vst v63  }
0x6d: {  	_ =	swait.ge [sflag:s24], $0x4000  }
0x6e: {  	[sflag:s24] =	ssyncset.done $0x0  }
0x6f: {  	[sflag:s24] =	ssyncadd.s32 $0xFFFFC000  }
0x70: {  	v1 =	vld [tilespmem:$0x14080];
	_ =	sdelay $0x7  }
0x71: {  	[tilespmem:v1+s25+$0x0] =	vst.idx.add.f32.msk $0xffff, v0  }
0x72: {  	v1 =	vld [tilespmem:$0x14090];
	_ =	sdelay $0x7  }
0x73: {  	[tilespmem:v1+s25+$0x0] =	vst.idx.add.f32.msk $0xffff, v0  }
0x74: {  	v1 =	vld [tilespmem:$0x140A0];
	_ =	sdelay $0x7  }
0x75: {  	[tilespmem:v1+s25+$0x0] =	vst.idx.add.f32.msk $0xffff, v0  }
0x76: {  	v1 =	vld [tilespmem:$0x140B0];
	_ =	sdelay $0x7  }
0x77: {  	[tilespmem:v1+s25+$0x0] =	vst.idx.add.f32.msk $0xffff, v0  }
0x78: {  	v1 =	vld [tilespmem:$0x140C0];
	_ =	sdelay $0x7  }
0x79: {  	[tilespmem:v1+s25+$0x0] =	vst.idx.add.f32.msk $0xffff, v0  }
0x7a: {  	v1 =	vld [tilespmem:$0x140D0];
	_ =	sdelay $0x7  }
0x7b: {  	[tilespmem:v1+s25+$0x0] =	vst.idx.add.f32.msk $0xffff, v0  }
0x7c: {  	v1 =	vld [tilespmem:$0x140E0];
	_ =	sdelay $0x7  }
0x7d: {  	[tilespmem:v1+s25+$0x0] =	vst.idx.add.f32.msk $0xffff, v0  }
0x7e: {  	v1 =	vld [tilespmem:$0x140F0];
	_ =	sdelay $0x1  }
0x7f: {  	s12 =	sadd.s32 $0x20000, s12  }
0x80: {  	p1 =	sne.s32 s12, $0x4E0000  }
.Ltmp0:
0x81: {  	_ = 	snop;
	(pc) =	sbr.rel @p1 .LBB2_2-.Ltmp0, $2  }
0x82: {  	_ =	sdelay $0x2  }
0x83: {  	s22 =	sadd.s32 $0x40, s22;
	s21 =	sadd.s32 $0x400, s21;
	[tilespmem:v1+s25+$0x0] =	vst.idx.add.f32.msk $0xffff, v0  }
0x84: {  	s12 =	simm.s32 @!p0 $0x1  }
0x85: {  	_ =	swait.ge @!p0 [sflag:s12], $0x80  }
0x86: {  	[sflag:s12] =	ssyncset.done @!p0 $0x0  }
0x87: {  	[sflag:s12] =	ssyncadd.s32 @!p0 $0xFFFFFF80  }
0x88: {  	_ =	swait.ge @!p0 [sflag:s12], $0x4000  }
0x89: {  	s13 =	simm.s32 @!p0 $0x14000;
	[sflag:s12] =	ssyncset.done @!p0 $0x0  }
0x8a: {  	s14 =	simm.s32 @!p0 $0x14100;
	[sflag:s12] =	ssyncadd.s32 @!p0 $0xFFFFC000;
	s12 =	simm.s32 @!p0 $0x80  }
0x8b: {  	[spmem:s2] =	stream.indirect.scatter.add.f32 @!p0 [tilespmem:s14], [sflag:$0x4], $0x80, s13, s12, $0xb8;
	[tilespmem:$0x1E900] =	vst v63  }
0x8c: {  	s12 =	simm.s32 @!p0 $0x4  }
0x8d: {  	_ =	swait.ge @!p0 [sflag:s12], $0x4000  }
0x8e: {  	[sflag:s12] =	ssyncset.done @!p0 $0x0  }
0x8f: {  	[sflag:s12] =	ssyncadd.s32 @!p0 $0xFFFFC000  }
0x90: {  	v1 =	vld @!p0 [tilespmem:$0x14000];
	_ =	sdelay $0x6  }
0x91: {  	v2 =	vimm.f32 @!p0 $1.000000000e+00;
	s12 =	simm.s32 @!p0 $0x1C100  }
0x92: {  	[tilespmem:v1+s12+$0x0] =	vst.idx.add.f32.msk @!p0 $0xffff, v2  }
0x93: {  	v1 =	vld @!p0 [tilespmem:$0x14010];
	_ =	sdelay $0x7  }
0x94: {  	[tilespmem:v1+s12+$0x0] =	vst.idx.add.f32.msk @!p0 $0xffff, v2  }
0x95: {  	v1 =	vld @!p0 [tilespmem:$0x14020];
	_ =	sdelay $0x7  }
0x96: {  	[tilespmem:v1+s12+$0x0] =	vst.idx.add.f32.msk @!p0 $0xffff, v2  }
0x97: {  	v1 =	vld @!p0 [tilespmem:$0x14030];
	_ =	sdelay $0x7  }
0x98: {  	[tilespmem:v1+s12+$0x0] =	vst.idx.add.f32.msk @!p0 $0xffff, v2  }
0x99: {  	v1 =	vld @!p0 [tilespmem:$0x14040];
	_ =	sdelay $0x7  }
0x9a: {  	[tilespmem:v1+s12+$0x0] =	vst.idx.add.f32.msk @!p0 $0xffff, v2  }
0x9b: {  	v1 =	vld @!p0 [tilespmem:$0x14050];
	_ =	sdelay $0x7  }
0x9c: {  	[tilespmem:v1+s12+$0x0] =	vst.idx.add.f32.msk @!p0 $0xffff, v2  }
0x9d: {  	v1 =	vld @!p0 [tilespmem:$0x14060];
	_ =	sdelay $0x7  }
0x9e: {  	[tilespmem:v1+s12+$0x0] =	vst.idx.add.f32.msk @!p0 $0xffff, v2  }
0x9f: {  	v1 =	vld @!p0 [tilespmem:$0x14070];
	_ =	sdelay $0x7  }
0xa0: {  	[tilespmem:v1+s12+$0x0] =	vst.idx.add.f32.msk @!p0 $0xffff, v2  }
0xa1: {  	[bflag:$0x0] =	sbarrier.arrive $0xFFFF  }
0xa2: {  	s15 =	rddreg [dreg:$0x9]  }
0xa3: {  	[hbm4b:s15+s3] =	stream.linear.scatter [tilespmem:s25], [sflag:$0x3], $0x2800, $0x38;
	[tilespmem:$0x1E900] =	vst v63  }
0xa4: {  	_ = 	snop  }
0xa5: {  	[tilespmem:s23], [sflag:$0x1] =	stream.linear.gather [spmem:s6], $0x4000, $0x38;
	[tilespmem:$0x1E900] =	vst v63  }
0xa6: {  	_ =	swait.ge [sflag:s26], $0x4000  }
0xa7: {  	[sflag:s26] =	ssyncset.done $0x0  }
0xa8: {  	[sflag:s26] =	ssyncadd.s32 $0xFFFFC000  }
0xa9: {  	[tilespmem:s31], [sflag:$0x2] =	stream.linear.gather [spmem:s7], $0x4000, $0x38;
	[tilespmem:$0x1E900] =	vst v63  }
0xaa: {  	s21 =	rddreg [dreg:$0xa]  }
0xab: {  	[hbm4b:s21+s3] =	stream.linear.scatter [tilespmem:s23], [sflag:$0x1], $0x4000, $0x38;
	[tilespmem:$0x1E900] =	vst v63  }
0xac: {  	_ =	swait.ge [sflag:s1], $0x4000  }
0xad: {  	[sflag:s1] =	ssyncset.done $0x0  }
0xae: {  	[sflag:s1] =	ssyncadd.s32 $0xFFFFC000  }
0xaf: {  	_ =	swait.ge [sflag:s26], $0x4000  }
0xb0: {  	[sflag:s26] =	ssyncset.done $0x0  }
0xb1: {  	[sflag:s26] =	ssyncadd.s32 $0xFFFFC000  }
0xb2: {  	[tilespmem:s23], [sflag:$0x1] =	stream.linear.gather [spmem:s8], $0x4000, $0x38;
	[tilespmem:$0x1E900] =	vst v63  }
0xb3: {  	s22 =	rddreg [dreg:$0xb]  }
0xb4: {  	[hbm4b:s22+s3] =	stream.linear.scatter [tilespmem:s31], [sflag:$0x2], $0x4000, $0x38;
	[tilespmem:$0x1E900] =	vst v63  }
0xb5: {  	_ =	swait.ge [sflag:s26], $0x4000  }
0xb6: {  	[sflag:s26] =	ssyncset.done $0x0  }
0xb7: {  	[sflag:s26] =	ssyncadd.s32 $0xFFFFC000  }
0xb8: {  	_ =	swait.ge [sflag:s1], $0x4000  }
0xb9: {  	[sflag:s1] =	ssyncset.done $0x0  }
0xba: {  	[sflag:s1] =	ssyncadd.s32 $0xFFFFC000  }
0xbb: {  	[tilespmem:s31], [sflag:$0x2] =	stream.linear.gather [spmem:s9], $0x4000, $0x38;
	[tilespmem:$0x1E900] =	vst v63  }
0xbc: {  	_ = 	snop  }
0xbd: {  	[hbm4b:s16+s3] =	stream.linear.scatter [tilespmem:s23], [sflag:$0x1], $0x4000, $0x38;
	[tilespmem:$0x1E900] =	vst v63  }
0xbe: {  	_ =	swait.ge [sflag:s1], $0x4000  }
0xbf: {  	[sflag:s1] =	ssyncset.done $0x0  }
0xc0: {  	[sflag:s1] =	ssyncadd.s32 $0xFFFFC000  }
0xc1: {  	_ =	swait.ge [sflag:s26], $0x4000  }
0xc2: {  	[sflag:s26] =	ssyncset.done $0x0  }
0xc3: {  	[sflag:s26] =	ssyncadd.s32 $0xFFFFC000  }
0xc4: {  	[tilespmem:s23], [sflag:$0x1] =	stream.linear.gather [spmem:s10], $0x4000, $0x38;
	[tilespmem:$0x1E900] =	vst v63  }
0xc5: {  	_ = 	snop  }
0xc6: {  	[hbm4b:s17+s3] =	stream.linear.scatter [tilespmem:s31], [sflag:$0x2], $0x4000, $0x38;
	[tilespmem:$0x1E900] =	vst v63  }
0xc7: {  	_ =	swait.ge [sflag:s26], $0x4000  }
0xc8: {  	[sflag:s26] =	ssyncset.done $0x0  }
0xc9: {  	[sflag:s26] =	ssyncadd.s32 $0xFFFFC000  }
0xca: {  	[hbm4b:s18+s3] =	stream.linear.scatter [tilespmem:s23], [sflag:$0x1], $0x4000, $0x38;
	[tilespmem:$0x1E900] =	vst v63  }
0xcb: {  	_ =	swait.ge [sflag:s1], $0x4000  }
0xcc: {  	[sflag:s1] =	ssyncset.done $0x0  }
0xcd: {  	s4 =	sadd.s32 $0x1, s4;
	[sflag:s1] =	ssyncadd.s32 $0xFFFFC000  }
0xce: {  	p1 =	sne.s32 s4, s19;
	_ =	swait.ge [sflag:s26], $0x4000  }
.Ltmp1:
0xcf: {  	[sflag:s26] =	ssyncset.done $0x0;
	(pc) =	sbr.rel @p1 .LBB2_1-.Ltmp1, $4  }
0xd0: {  	[sflag:s26] =	ssyncadd.s32 $0xFFFFC000  }
0xd1: {  	_ =	swait.ge [sflag:s28], $0x2800  }
0xd2: {  	[sflag:s28] =	ssyncset.done $0x0  }
0xd3: {  	[sflag:s28] =	ssyncadd.s32 $0xFFFFD800  }
0xd4: {  	_ =	sfence.sel $0x180000  }
0xd5: {  	[bflag:$0x0] =	sbarrier.arrive $0xFFFF  }
0xd6: {  	_ =	strace $0x90000047  }
0xd7: {  	s0 =	stileid.u32;
	[bflag:$0x2] =	sbarrier.arrive $0xFFFF  }
0xd8: {  	p0 =	sne.s32 s0, $0x0;
	s0 =	rddreg [dreg:$0x4]  }
0xd9: {  	s0 =	sadd.s32 @!p0 $0x100000, s0  }
0xda: {  	[sflag:s0] =	ssyncadd.tile.s32 @!p0 $0x1;
	_ =	shalt  }
.Lfunc_end2:
_tile_overlayer_lowered:
.L_overlay_start_2:
0xdb: {  	(tag) =	ssettag $0x2  }
0xdc: {  	s0 =	rddreg [dreg:$0x0];
	s2 =	stileid.u32  }
0xdd: {  	s1 =	rddreg [dreg:$0x1];
	p0 =	sne.s32 s2, $0x0  }
0xde: {  	s3 =	rddreg [dreg:$0x2];
	[bflag:$0x3] =	sbarrier.arrive $0xFFFF;
	s2 =	simm.s32 @!p0 $0x1C04  }
0xdf: {  	[timem:s3], [sflag:s2] =	dma.local @!p0 [hbm:s0], s1  }
0xe0: {  	s0 =	simm.s32 @!p0 $0x4  }
0xe1: {  	_ =	swait.ge @!p0 [sflag:s0], s1  }
0xe2: {  	s1 =	ssub.s32 @!p0 $0x0, s1;
	[sflag:s0] =	ssyncset.done @!p0 $0x0  }
0xe3: {  	[sflag:s0] =	ssyncadd.s32 @!p0 s1  }
0xe4: {  	[bflag:$0x3] =	sbarrier.arrive $0xFFFF  }
0xe5: {  	_ =	shalt  }

</sc_bundles>
